<compile_context>
chip_gen: v7x
topology: tpu7x:2x2x1
jax: 0.10.2.dev20260603
libtpu: 0.0.44.dev20260713+nightly
codegen_flags: <defaults>
</compile_context>

<pallas_src>
import jax
import jax.numpy as jnp
from jax import lax
from jax.experimental import pallas as pl
from jax.experimental.pallas import tpu as pltpu
from jax.experimental.pallas import tpu_sc as plsc

_VOL = (128, 128, 128)
_W = 12
_WY = 11
_L = 16
_NC, _NS = 2, 16
_NW = _NC * _NS
_ROWS = _VOL[0] // _NW
_SLAB = _ROWS * _VOL[1] * _VOL[2]
_SCALE = 127.0


def _splat16(s, dtype=None):
    v = lax.broadcast_in_dim(s, (_L,), ())
    return v if dtype is None else v.astype(dtype)


def _sc_body(cx_h, cy_h, cz_h, sg_h, in_h, out_h,
             pcx, pcy, pcz, psg, pin, wl, acc):
    n = pcx.shape[0]
    w = lax.axis_index("s") * _NC + lax.axis_index("c")

    pltpu.sync_copy(cx_h, pcx)
    pltpu.sync_copy(cy_h, pcy)
    pltpu.sync_copy(cz_h, pcz)
    pltpu.sync_copy(sg_h, psg)
    pltpu.sync_copy(in_h, pin)

    zeros = jnp.zeros((_L,), jnp.float32)

    def zbody(i, carry):
        base = i * (8 * _L)
        for u in range(8):
            acc[pl.ds(base + u * _L, _L)] = zeros
        return carry

    lax.fori_loop(0, _SLAB // (8 * _L), zbody, 0)

    lane = lax.iota(jnp.int32, _L)
    lanef = lane.astype(jnp.float32)
    slab_lo = w * _ROWS
    slab_lo_f = _splat16(slab_lo, jnp.float32)
    slab_hi_f = slab_lo_f + float(_ROWS - 1)

    def gaussian(gs):
        cxs = plsc.load_gather(pcx, [gs])
        cys = plsc.load_gather(pcy, [gs])
        czs = plsc.load_gather(pcz, [gs])
        sgs = plsc.load_gather(psg, [gs])
        ins = plsc.load_gather(pin, [gs])
        cut = (3.0 * sgs) * _SCALE
        inv2 = 0.5 / (sgs * sgs)
        ninv2 = -inv2

        cvx = cxs * _SCALE
        cvy = cys * _SCALE
        cvz = czs * _SCALE
        lox = jnp.maximum(cvx - cut, 0.0).astype(jnp.int32).astype(jnp.float32)
        hix = jnp.minimum(cvx + cut, _SCALE).astype(jnp.int32).astype(jnp.float32)
        loy = jnp.maximum(cvy - cut, 0.0).astype(jnp.int32).astype(jnp.float32)
        hiy = jnp.minimum(cvy + cut, _SCALE).astype(jnp.int32).astype(jnp.float32)
        loz = jnp.maximum(cvz - cut, 0.0).astype(jnp.int32).astype(jnp.float32)
        hiz = jnp.minimum(cvz + cut, _SCALE).astype(jnp.int32).astype(jnp.float32)

        byf = jnp.minimum(loy, _SCALE - (_WY - 1))
        bzf = jnp.minimum(loz, _SCALE - (_WY - 1))

        zf = bzf + lanef
        dz = zf * (1.0 / _SCALE) - czs
        wz = jnp.exp(-(dz * dz) * inv2) * ins
        zmask = (zf >= loz) & (zf <= hiz)

        dy0 = byf * (1.0 / _SCALE) - cys
        ay = loy - byf
        by2 = hiy - byf
        cs = []
        for yo in range(_WY):
            dy = dy0 + float(yo) / _SCALE
            e = jnp.exp((dy * dy) * ninv2)
            m = (float(yo) >= ay) & (float(yo) <= by2)
            cs.append(jnp.where(m, e, 0.0))

        idx_base = (byf * _VOL[2] + bzf).astype(jnp.int32) + lane
        idxs = [idx_base + yo * _VOL[2] for yo in range(_WY)]

        for xo in range(_ROWS):
            xfs = slab_lo_f + float(xo)
            dx = xfs * (1.0 / _SCALE) - cxs
            wxz = jnp.exp(-(dx * dx) * inv2) * wz
            xmask = (xfs >= lox) & (xfs <= hix)
            m = zmask & xmask
            rowref = acc.at[pl.ds(xo * (_VOL[1] * _VOL[2]),
                                  _VOL[1] * _VOL[2])]
            for yo in range(_WY):
                plsc.addupdate_scatter(rowref, [idxs[yo]], wxz * cs[yo],
                                       mask=m)

    def scan_block(b, cnt):
        base = b * _L
        ids = base + lane
        cxv = pcx[pl.ds(base, _L)]
        sgv = psg[pl.ds(base, _L)]
        cvx = cxv * _SCALE
        cut = (3.0 * sgv) * _SCALE
        lox = jnp.maximum(cvx - cut, 0.0).astype(jnp.int32).astype(jnp.float32)
        hix = jnp.minimum(cvx + cut, _SCALE).astype(jnp.int32).astype(jnp.float32)
        hit = (hix >= slab_lo_f) & (lox <= slab_hi_f)
        hi32 = hit.astype(jnp.int32)
        pos = cnt + plsc.cumsum(hi32) - 1
        plsc.store_scatter(wl, [pos], ids, mask=hit)
        return cnt + jnp.sum(hi32)

    cnt = lax.fori_loop(0, n // _L, scan_block, 0)

    plsc.store_scatter(wl, [_splat16(cnt)], _splat16(n - 1), mask=lane < 1)

    def work_block(bb, carry):
        @pl.when(bb * _L < cnt)
        def _():
            def inner(j, c2):
                i = bb * _L + 2 * j

                @pl.when(i < cnt)
                def _():
                    gaussian(plsc.load_gather(wl, [_splat16(i)]))
                    gaussian(plsc.load_gather(wl, [_splat16(i + 1)]))

                return c2

            lax.fori_loop(0, _L // 2, inner, 0)

        return carry

    lax.fori_loop(0, n // _L, work_block, 0)

    pltpu.sync_copy(acc, out_h.at[pl.ds(w * _SLAB, _SLAB)])


def kernel(centers, sigmas, intensities):
    n = centers.shape[0]
    pad = (-n) % _L + _L
    centers = jnp.concatenate(
        [centers, jnp.full((pad, 3), 0.5, jnp.float32)], axis=0)
    sigmas = jnp.concatenate([sigmas, jnp.full((pad,), 0.004, jnp.float32)])
    intensities = jnp.concatenate(
        [intensities, jnp.zeros((pad,), jnp.float32)])
    n += pad
    cx = centers[:, 0]
    cy = centers[:, 1]
    cz = centers[:, 2]

    mesh = plsc.VectorSubcoreMesh(core_axis_name="c", subcore_axis_name="s")
    f = pl.kernel(
        _sc_body,
        out_type=jax.ShapeDtypeStruct((_VOL[0] * _VOL[1] * _VOL[2],),
                                      jnp.float32),
        mesh=mesh,
        compiler_params=pltpu.CompilerParams(needs_layout_passes=False),
        scratch_types=[
            pltpu.VMEM((n,), jnp.float32),
            pltpu.VMEM((n,), jnp.float32),
            pltpu.VMEM((n,), jnp.float32),
            pltpu.VMEM((n,), jnp.float32),
            pltpu.VMEM((n,), jnp.float32),
            pltpu.VMEM((n + _L,), jnp.int32),
            pltpu.VMEM((_SLAB,), jnp.float32),
        ],
    )
    vol = f(cx, cy, cz, sigmas, intensities)
    return vol.reshape(_VOL)

# --- scband reference (transcript-rebuilt; emitter-appended) ---
"""Pipeline reference for scband-gaussian-model-34308198761191 (READ-ONLY COPY).

The authoritative reference and input builder live on the scoring server;
editing this copy changes nothing except your own understanding.
"""

import jax, jax.numpy as jnp
import numpy as np

VOL = (128, 128, 128)
W = 12
N = 10000


def setup_inputs(seed: int = 0) -> dict:
    key = jax.random.key(seed)
    k1, k2, k3 = jax.random.split(key, 3)
    centers = jax.random.uniform(k1, (N, 3), dtype=jnp.float32)
    # sigmas kept small so the 3-sigma cutoff box fits inside the fixed W=12 window
    sigmas = jax.random.uniform(k2, (N,), dtype=jnp.float32) * 0.008 + 0.004
    intensities = jax.random.uniform(k3, (N,), dtype=jnp.float32)
    return {"centers": centers, "sigmas": sigmas, "intensities": intensities}


def reference(centers, sigmas, intensities):
    D0, D1, D2 = VOL
    scale = jnp.array([D0 - 1, D1 - 1, D2 - 1], dtype=jnp.float32)  # scale_factors
    center_vox = centers * scale                         # [N,3] center in voxel coords
    cutoff = 3.0 * sigmas[:, None] * scale               # [N,3] 3-sigma cutoff in voxels
    # inclusive voxel index bounds matching torch: min_idx.int() .. (max_idx+1).int()-1
    lo = jnp.floor(jnp.maximum(center_vox - cutoff, 0.0))
    hi = jnp.floor(jnp.minimum(center_vox + cutoff, scale))
    # fixed-size window guaranteed to contain [lo, hi]
    base = jnp.clip(lo, 0.0, scale - (W - 1)).astype(jnp.int32)   # [N,3]
    offs = jnp.arange(W, dtype=jnp.int32)
    idx = base[:, :, None] + offs[None, None, :]          # [N,3,W]
    idx_f = idx.astype(jnp.float32)
    coord = idx_f / scale[None, :, None]                  # normalized grid coords (linspace(0,1,dim))
    diff2 = (coord - centers[:, :, None]) ** 2            # [N,3,W]
    in_rng = (idx_f >= lo[:, :, None]) & (idx_f <= hi[:, :, None])  # [N,3,W]
    d2 = (diff2[:, 0, :, None, None]
          + diff2[:, 1, None, :, None]
          + diff2[:, 2, None, None, :])                   # [N,W,W,W]
    mask = (in_rng[:, 0, :, None, None]
            & in_rng[:, 1, None, :, None]
            & in_rng[:, 2, None, None, :])                # [N,W,W,W]
    contrib = intensities[:, None, None, None] * jnp.exp(
        -0.5 * d2 / (sigmas[:, None, None, None] ** 2))
    contrib = jnp.where(mask, contrib, 0.0)
    flat = (idx[:, 0, :, None, None] * (D1 * D2)
            + idx[:, 1, None, :, None] * D2
            + idx[:, 2, None, None, :])                   # [N,W,W,W] int32
    vol = jnp.zeros(D0 * D1 * D2, dtype=jnp.float32).at[flat.reshape(-1)].add(contrib.reshape(-1))
    return vol.reshape(VOL)

if __name__ == "__main__":
    import jax
    _d = setup_inputs()
    print(jax.jit(kernel)(*tuple(_d.values())))

</pallas_src>

<mosaic_0001>
#map = affine_map<(d0, d1) -> (0)>
module attributes {stable_mosaic.version = 14 : i64} {
  func.func @_sc_body(%arg0: i32, %arg1: i32, %arg2: memref<10016xf32, #tpu.memory_space<hbm>>, %arg3: memref<10016xf32, #tpu.memory_space<hbm>>, %arg4: memref<10016xf32, #tpu.memory_space<hbm>>, %arg5: memref<10016xf32, #tpu.memory_space<hbm>>, %arg6: memref<10016xf32, #tpu.memory_space<hbm>>, %arg7: memref<2097152xf32, #tpu.memory_space<hbm>>, %arg8: memref<10016xf32, #tpu.memory_space<vmem>>, %arg9: memref<10016xf32, #tpu.memory_space<vmem>>, %arg10: memref<10016xf32, #tpu.memory_space<vmem>>, %arg11: memref<10016xf32, #tpu.memory_space<vmem>>, %arg12: memref<10016xf32, #tpu.memory_space<vmem>>, %arg13: memref<10032xi32, #tpu.memory_space<vmem>>, %arg14: memref<65536xf32, #tpu.memory_space<vmem>>) attributes {dimension_semantics = [#tpu.dimension_semantics<core_parallel>, #tpu.dimension_semantics<subcore_parallel>], iteration_bounds = array<i64: 2, 16>, scalar_prefetch = 0 : i64, scratch_operands = 7 : i64, tpu.core_type = #tpu.core_type<sc_vector_subcore>, window_params = [{transform_indices = #map}, {transform_indices = #map}, {transform_indices = #map}, {transform_indices = #map}, {transform_indices = #map}, {transform_indices = #map}]} {
    %mul3A = arith.constant 2 : i32
    %mul3A_0 = arith.muli %arg1, %mul3A : i32
    %add3A = arith.addi %mul3A_0, %arg0 : i32
    "tpu.region"() ({
      %run_scoped3A = tpu.sem_alloc : memref<!tpu.dma_semaphore, #tpu.memory_space<semaphore_mem>>
      tpu.enqueue_dma source(%arg2 : memref<10016xf32, #tpu.memory_space<hbm>>) target(%arg8 : memref<10016xf32, #tpu.memory_space<vmem>>) target_semaphore(%run_scoped3A : memref<!tpu.dma_semaphore, #tpu.memory_space<semaphore_mem>>)
      tpu.wait_dma2 semaphore(%run_scoped3A : memref<!tpu.dma_semaphore, #tpu.memory_space<semaphore_mem>>) src(%arg2 : memref<10016xf32, #tpu.memory_space<hbm>>) dst(%arg8 : memref<10016xf32, #tpu.memory_space<vmem>>)
      tpu.yield
    }) : () -> ()
    "tpu.region"() ({
      %run_scoped3A = tpu.sem_alloc : memref<!tpu.dma_semaphore, #tpu.memory_space<semaphore_mem>>
      tpu.enqueue_dma source(%arg3 : memref<10016xf32, #tpu.memory_space<hbm>>) target(%arg9 : memref<10016xf32, #tpu.memory_space<vmem>>) target_semaphore(%run_scoped3A : memref<!tpu.dma_semaphore, #tpu.memory_space<semaphore_mem>>)
      tpu.wait_dma2 semaphore(%run_scoped3A : memref<!tpu.dma_semaphore, #tpu.memory_space<semaphore_mem>>) src(%arg3 : memref<10016xf32, #tpu.memory_space<hbm>>) dst(%arg9 : memref<10016xf32, #tpu.memory_space<vmem>>)
      tpu.yield
    }) : () -> ()
    "tpu.region"() ({
      %run_scoped3A = tpu.sem_alloc : memref<!tpu.dma_semaphore, #tpu.memory_space<semaphore_mem>>
      tpu.enqueue_dma source(%arg4 : memref<10016xf32, #tpu.memory_space<hbm>>) target(%arg10 : memref<10016xf32, #tpu.memory_space<vmem>>) target_semaphore(%run_scoped3A : memref<!tpu.dma_semaphore, #tpu.memory_space<semaphore_mem>>)
      tpu.wait_dma2 semaphore(%run_scoped3A : memref<!tpu.dma_semaphore, #tpu.memory_space<semaphore_mem>>) src(%arg4 : memref<10016xf32, #tpu.memory_space<hbm>>) dst(%arg10 : memref<10016xf32, #tpu.memory_space<vmem>>)
      tpu.yield
    }) : () -> ()
    "tpu.region"() ({
      %run_scoped3A = tpu.sem_alloc : memref<!tpu.dma_semaphore, #tpu.memory_space<semaphore_mem>>
      tpu.enqueue_dma source(%arg5 : memref<10016xf32, #tpu.memory_space<hbm>>) target(%arg11 : memref<10016xf32, #tpu.memory_space<vmem>>) target_semaphore(%run_scoped3A : memref<!tpu.dma_semaphore, #tpu.memory_space<semaphore_mem>>)
      tpu.wait_dma2 semaphore(%run_scoped3A : memref<!tpu.dma_semaphore, #tpu.memory_space<semaphore_mem>>) src(%arg5 : memref<10016xf32, #tpu.memory_space<hbm>>) dst(%arg11 : memref<10016xf32, #tpu.memory_space<vmem>>)
      tpu.yield
    }) : () -> ()
    "tpu.region"() ({
      %run_scoped3A = tpu.sem_alloc : memref<!tpu.dma_semaphore, #tpu.memory_space<semaphore_mem>>
      tpu.enqueue_dma source(%arg6 : memref<10016xf32, #tpu.memory_space<hbm>>) target(%arg12 : memref<10016xf32, #tpu.memory_space<vmem>>) target_semaphore(%run_scoped3A : memref<!tpu.dma_semaphore, #tpu.memory_space<semaphore_mem>>)
      tpu.wait_dma2 semaphore(%run_scoped3A : memref<!tpu.dma_semaphore, #tpu.memory_space<semaphore_mem>>) src(%arg6 : memref<10016xf32, #tpu.memory_space<hbm>>) dst(%arg12 : memref<10016xf32, #tpu.memory_space<vmem>>)
      tpu.yield
    }) : () -> ()
    %broadcast_in_dim3A = arith.constant 0.000000e+00 : f32
    %broadcast_in_dim3A_1 = vector.broadcast %broadcast_in_dim3A : f32 to vector<16xf32>
    %scan3A = arith.constant 0 : i32
    %scan3A_2 = arith.constant 0 : i32
    %scan3A_3 = arith.constant 512 : i32
    %scan3A_4 = arith.addi %scan3A_2, %scan3A_3 : i32
    %scan3A_5 = arith.constant 1 : i32
    scf.for %scan3A_34 = %scan3A_2 to %scan3A_4 step %scan3A_5  : i32 {
      %mul3A_35 = arith.constant 128 : i32
      %mul3A_36 = arith.muli %scan3A_34, %mul3A_35 : i32
      %add3A_37 = arith.constant 0 : i32
      %add3A_38 = arith.addi %mul3A_36, %add3A_37 : i32
      %swap3A = arith.index_cast %add3A_38 : i32 to index
      %swap3A_39 = tpu.vector_load %arg14[%swap3A] {strides = array<i32>} : memref<65536xf32, #tpu.memory_space<vmem>>, vector<16xf32>,
      tpu.vector_store %arg14[%swap3A], %broadcast_in_dim3A_1 {strides = array<i32>} : memref<65536xf32, #tpu.memory_space<vmem>>, vector<16xf32>,
      %add3A_40 = arith.constant 16 : i32
      %add3A_41 = arith.addi %mul3A_36, %add3A_40 : i32
      %swap3A_42 = arith.index_cast %add3A_41 : i32 to index
      %swap3A_43 = tpu.vector_load %arg14[%swap3A_42] {strides = array<i32>} : memref<65536xf32, #tpu.memory_space<vmem>>, vector<16xf32>,
      tpu.vector_store %arg14[%swap3A_42], %broadcast_in_dim3A_1 {strides = array<i32>} : memref<65536xf32, #tpu.memory_space<vmem>>, vector<16xf32>,
      %add3A_44 = arith.constant 32 : i32
      %add3A_45 = arith.addi %mul3A_36, %add3A_44 : i32
      %swap3A_46 = arith.index_cast %add3A_45 : i32 to index
      %swap3A_47 = tpu.vector_load %arg14[%swap3A_46] {strides = array<i32>} : memref<65536xf32, #tpu.memory_space<vmem>>, vector<16xf32>,
      tpu.vector_store %arg14[%swap3A_46], %broadcast_in_dim3A_1 {strides = array<i32>} : memref<65536xf32, #tpu.memory_space<vmem>>, vector<16xf32>,
      %add3A_48 = arith.constant 48 : i32
      %add3A_49 = arith.addi %mul3A_36, %add3A_48 : i32
      %swap3A_50 = arith.index_cast %add3A_49 : i32 to index
      %swap3A_51 = tpu.vector_load %arg14[%swap3A_50] {strides = array<i32>} : memref<65536xf32, #tpu.memory_space<vmem>>, vector<16xf32>,
      tpu.vector_store %arg14[%swap3A_50], %broadcast_in_dim3A_1 {strides = array<i32>} : memref<65536xf32, #tpu.memory_space<vmem>>, vector<16xf32>,
      %add3A_52 = arith.constant 64 : i32
      %add3A_53 = arith.addi %mul3A_36, %add3A_52 : i32
      %swap3A_54 = arith.index_cast %add3A_53 : i32 to index
      %swap3A_55 = tpu.vector_load %arg14[%swap3A_54] {strides = array<i32>} : memref<65536xf32, #tpu.memory_space<vmem>>, vector<16xf32>,
      tpu.vector_store %arg14[%swap3A_54], %broadcast_in_dim3A_1 {strides = array<i32>} : memref<65536xf32, #tpu.memory_space<vmem>>, vector<16xf32>,
      %add3A_56 = arith.constant 80 : i32
      %add3A_57 = arith.addi %mul3A_36, %add3A_56 : i32
      %swap3A_58 = arith.index_cast %add3A_57 : i32 to index
      %swap3A_59 = tpu.vector_load %arg14[%swap3A_58] {strides = array<i32>} : memref<65536xf32, #tpu.memory_space<vmem>>, vector<16xf32>,
      tpu.vector_store %arg14[%swap3A_58], %broadcast_in_dim3A_1 {strides = array<i32>} : memref<65536xf32, #tpu.memory_space<vmem>>, vector<16xf32>,
      %add3A_60 = arith.constant 96 : i32
      %add3A_61 = arith.addi %mul3A_36, %add3A_60 : i32
      %swap3A_62 = arith.index_cast %add3A_61 : i32 to index
      %swap3A_63 = tpu.vector_load %arg14[%swap3A_62] {strides = array<i32>} : memref<65536xf32, #tpu.memory_space<vmem>>, vector<16xf32>,
      tpu.vector_store %arg14[%swap3A_62], %broadcast_in_dim3A_1 {strides = array<i32>} : memref<65536xf32, #tpu.memory_space<vmem>>, vector<16xf32>,
      %add3A_64 = arith.constant 112 : i32
      %add3A_65 = arith.addi %mul3A_36, %add3A_64 : i32
      %swap3A_66 = arith.index_cast %add3A_65 : i32 to index
      %swap3A_67 = tpu.vector_load %arg14[%swap3A_66] {strides = array<i32>} : memref<65536xf32, #tpu.memory_space<vmem>>, vector<16xf32>,
      tpu.vector_store %arg14[%swap3A_66], %broadcast_in_dim3A_1 {strides = array<i32>} : memref<65536xf32, #tpu.memory_space<vmem>>, vector<16xf32>,
    }
    %scan3A_6 = arith.constant 512 : i32
    %iota3A = tpu.iota {dimensions = array<i32: 0>} : vector<16xi32>
    %convert_element_type3A = arith.sitofp %iota3A : vector<16xi32> to vector<16xf32>
    %mul3A_7 = arith.constant 4 : i32
    %mul3A_8 = arith.muli %add3A, %mul3A_7 : i32
    %broadcast_in_dim3A_9 = vector.broadcast %mul3A_8 : i32 to vector<16xi32>
    %convert_element_type3A_10 = arith.sitofp %broadcast_in_dim3A_9 : vector<16xi32> to vector<16xf32>
    %add3A_11 = arith.constant 3.000000e+00 : f32
    %add3A_12 = vector.broadcast %add3A_11 : f32 to vector<16xf32>
    %add3A_13 = arith.addf %convert_element_type3A_10, %add3A_12 : vector<16xf32>
    %scan3A_14 = arith.constant 0 : i32
    %scan3A_15 = arith.constant 0 : i32
    %scan3A_16 = arith.constant 626 : i32
    %scan3A_17 = arith.addi %scan3A_15, %scan3A_16 : i32
    %scan3A_18 = arith.constant 1 : i32
    %scan3A_19 = scf.for %scan3A_34 = %scan3A_15 to %scan3A_17 step %scan3A_18 iter_args(%scan3A_35 = %scan3A_14) -> (i32)  : i32 {
      %mul3A_36 = arith.constant 16 : i32
      %mul3A_37 = arith.muli %scan3A_34, %mul3A_36 : i32
      %add3A_38 = vector.broadcast %mul3A_37 : i32 to vector<16xi32>
      %add3A_39 = arith.addi %add3A_38, %iota3A : vector<16xi32>
      %get3A = arith.index_cast %mul3A_37 : i32 to index
      %get3A_40 = tpu.vector_load %arg8[%get3A] {strides = array<i32>} : memref<10016xf32, #tpu.memory_space<vmem>>, vector<16xf32>,
      %get3A_41 = arith.index_cast %mul3A_37 : i32 to index
      %get3A_42 = tpu.vector_load %arg11[%get3A_41] {strides = array<i32>} : memref<10016xf32, #tpu.memory_space<vmem>>, vector<16xf32>,
      %mul3A_43 = arith.constant 1.270000e+02 : f32
      %mul3A_44 = vector.broadcast %mul3A_43 : f32 to vector<16xf32>
      %mul3A_45 = arith.mulf %get3A_40, %mul3A_44 : vector<16xf32>
      %mul3A_46 = arith.constant 3.000000e+00 : f32
      %mul3A_47 = vector.broadcast %mul3A_46 : f32 to vector<16xf32>
      %mul3A_48 = arith.mulf %mul3A_47, %get3A_42 : vector<16xf32>
      %mul3A_49 = arith.constant 1.270000e+02 : f32
      %mul3A_50 = vector.broadcast %mul3A_49 : f32 to vector<16xf32>
      %mul3A_51 = arith.mulf %mul3A_48, %mul3A_50 : vector<16xf32>
      %sub3A = arith.subf %mul3A_45, %mul3A_51 : vector<16xf32>
      %max3A = arith.constant 0.000000e+00 : f32
      %max3A_52 = vector.broadcast %max3A : f32 to vector<16xf32>
      %max3A_53 = arith.maximumf %sub3A, %max3A_52 : vector<16xf32>
      %convert_element_type3A_54 = arith.fptosi %max3A_53 : vector<16xf32> to vector<16xi32>
      %convert_element_type3A_55 = arith.sitofp %convert_element_type3A_54 : vector<16xi32> to vector<16xf32>
      %add3A_56 = arith.addf %mul3A_45, %mul3A_51 : vector<16xf32>
      %min3A = arith.constant 1.270000e+02 : f32
      %min3A_57 = vector.broadcast %min3A : f32 to vector<16xf32>
      %min3A_58 = arith.minimumf %add3A_56, %min3A_57 : vector<16xf32>
      %convert_element_type3A_59 = arith.fptosi %min3A_58 : vector<16xf32> to vector<16xi32>
      %convert_element_type3A_60 = arith.sitofp %convert_element_type3A_59 : vector<16xi32> to vector<16xf32>
      %ge3A = arith.cmpf oge, %convert_element_type3A_60, %convert_element_type3A_10 : vector<16xf32>
      %le3A = arith.cmpf ole, %convert_element_type3A_55, %add3A_13 : vector<16xf32>
      %and3A = arith.andi %ge3A, %le3A : vector<16xi1>
      %convert_element_type3A_61 = arith.extui %and3A : vector<16xi1> to vector<16xi32>
      %broadcast_in_dim3A_62 = arith.constant true
      %broadcast_in_dim3A_63 = vector.broadcast %broadcast_in_dim3A_62 : i1 to vector<16xi1>
      %masked_cumsum3A = tpu.scan <sum>, %convert_element_type3A_61 masked %broadcast_in_dim3A_63 : vector<16xi32>, vector<16xi1> -> vector<16xi32>
      %add3A_64 = vector.broadcast %scan3A_35 : i32 to vector<16xi32>
      %add3A_65 = arith.addi %add3A_64, %masked_cumsum3A : vector<16xi32>
      %sub3A_66 = arith.constant 1 : i32
      %sub3A_67 = vector.broadcast %sub3A_66 : i32 to vector<16xi32>
      %sub3A_68 = arith.subi %add3A_65, %sub3A_67 : vector<16xi32>
      tpu.vector_store_idx %arg13[%sub3A_68], %add3A_39 masked %and3A : memref<10032xi32, #tpu.memory_space<vmem>>[vector<16xi32>], vector<16xi32>, vector<16xi1>
      %reduce_sum3A = arith.constant true
      %reduce_sum3A_69 = vector.broadcast %reduce_sum3A : i1 to vector<16xi1>
      %reduce_sum3A_70 = tpu.scan <sum>, %convert_element_type3A_61 masked %reduce_sum3A_69 : vector<16xi32>, vector<16xi1> -> vector<16xi32>
      %reduce_sum3A_71 = vector.extract %reduce_sum3A_70[15] : i32 from vector<16xi32>
      %add3A_72 = arith.addi %scan3A_35, %reduce_sum3A_71 : i32
      scf.yield %add3A_72 : i32
    }
    %scan3A_20 = arith.constant 626 : i32
    %broadcast_in_dim3A_21 = vector.broadcast %scan3A_19 : i32 to vector<16xi32>
    %broadcast_in_dim3A_22 = arith.constant 10015 : i32
    %broadcast_in_dim3A_23 = vector.broadcast %broadcast_in_dim3A_22 : i32 to vector<16xi32>
    %lt3A = arith.constant 1 : i32
    %lt3A_24 = vector.broadcast %lt3A : i32 to vector<16xi32>
    %lt3A_25 = arith.cmpi slt, %iota3A, %lt3A_24 : vector<16xi32>
    tpu.vector_store_idx %arg13[%broadcast_in_dim3A_21], %broadcast_in_dim3A_23 masked %lt3A_25 : memref<10032xi32, #tpu.memory_space<vmem>>[vector<16xi32>], vector<16xi32>, vector<16xi1>
    %scan3A_26 = arith.constant 0 : i32
    %scan3A_27 = arith.constant 0 : i32
    %scan3A_28 = arith.constant 626 : i32
    %scan3A_29 = arith.addi %scan3A_27, %scan3A_28 : i32
    %scan3A_30 = arith.constant 1 : i32
    scf.for %scan3A_34 = %scan3A_27 to %scan3A_29 step %scan3A_30  : i32 {
      %mul3A_35 = arith.constant 16 : i32
      %mul3A_36 = arith.muli %scan3A_34, %mul3A_35 : i32
      %lt3A_37 = arith.cmpi slt, %mul3A_36, %scan3A_19 : i32
      %convert_element_type3A_38 = arith.extui %lt3A_37 : i1 to i32
      %cond3A = arith.constant 0 : i32
      %cond3A_39 = arith.cmpi ne, %convert_element_type3A_38, %cond3A : i32
      scf.if %cond3A_39 {
        %scan3A_40 = arith.constant 0 : i32
        %scan3A_41 = arith.constant 0 : i32
        %scan3A_42 = arith.constant 8 : i32
        %scan3A_43 = arith.addi %scan3A_41, %scan3A_42 : i32
        %scan3A_44 = arith.constant 1 : i32
        scf.for %scan3A_46 = %scan3A_41 to %scan3A_43 step %scan3A_44  : i32 {
          %mul3A_47 = arith.constant 16 : i32
          %mul3A_48 = arith.muli %scan3A_34, %mul3A_47 : i32
          %mul3A_49 = arith.constant 2 : i32
          %mul3A_50 = arith.muli %mul3A_49, %scan3A_46 : i32
          %add3A_51 = arith.addi %mul3A_48, %mul3A_50 : i32
          %lt3A_52 = arith.cmpi slt, %add3A_51, %scan3A_19 : i32
          %convert_element_type3A_53 = arith.extui %lt3A_52 : i1 to i32
          %cond3A_54 = arith.constant 0 : i32
          %cond3A_55 = arith.cmpi ne, %convert_element_type3A_53, %cond3A_54 : i32
          scf.if %cond3A_55 {
            %broadcast_in_dim3A_56 = vector.broadcast %add3A_51 : i32 to vector<16xi32>
            %gather3A = tpu.vector_load_idx %arg13[%broadcast_in_dim3A_56] : memref<10032xi32, #tpu.memory_space<vmem>>[vector<16xi32>], vector<16xi32>,
            %gather3A_57 = tpu.vector_load_idx %arg8[%gather3A] : memref<10016xf32, #tpu.memory_space<vmem>>[vector<16xi32>], vector<16xf32>,
            %gather3A_58 = tpu.vector_load_idx %arg9[%gather3A] : memref<10016xf32, #tpu.memory_space<vmem>>[vector<16xi32>], vector<16xf32>,
            %gather3A_59 = tpu.vector_load_idx %arg10[%gather3A] : memref<10016xf32, #tpu.memory_space<vmem>>[vector<16xi32>], vector<16xf32>,
            %gather3A_60 = tpu.vector_load_idx %arg11[%gather3A] : memref<10016xf32, #tpu.memory_space<vmem>>[vector<16xi32>], vector<16xf32>,
            %gather3A_61 = tpu.vector_load_idx %arg12[%gather3A] : memref<10016xf32, #tpu.memory_space<vmem>>[vector<16xi32>], vector<16xf32>,
            %mul3A_62 = arith.constant 3.000000e+00 : f32
            %mul3A_63 = vector.broadcast %mul3A_62 : f32 to vector<16xf32>
            %mul3A_64 = arith.mulf %mul3A_63, %gather3A_60 : vector<16xf32>
            %mul3A_65 = arith.constant 1.270000e+02 : f32
            %mul3A_66 = vector.broadcast %mul3A_65 : f32 to vector<16xf32>
            %mul3A_67 = arith.mulf %mul3A_64, %mul3A_66 : vector<16xf32>
            %mul3A_68 = arith.mulf %gather3A_60, %gather3A_60 : vector<16xf32>
            %div3A = arith.constant 5.000000e-01 : f32
            %div3A_69 = vector.broadcast %div3A : f32 to vector<16xf32>
            %div3A_70 = arith.divf %div3A_69, %mul3A_68 : vector<16xf32>
            %neg3A = arith.constant 0.000000e+00 : f32
            %neg3A_71 = vector.broadcast %neg3A : f32 to vector<16xf32>
            %neg3A_72 = arith.subf %neg3A_71, %div3A_70 : vector<16xf32>
            %mul3A_73 = arith.constant 1.270000e+02 : f32
            %mul3A_74 = vector.broadcast %mul3A_73 : f32 to vector<16xf32>
            %mul3A_75 = arith.mulf %gather3A_57, %mul3A_74 : vector<16xf32>
            %mul3A_76 = arith.constant 1.270000e+02 : f32
            %mul3A_77 = vector.broadcast %mul3A_76 : f32 to vector<16xf32>
            %mul3A_78 = arith.mulf %gather3A_58, %mul3A_77 : vector<16xf32>
            %mul3A_79 = arith.constant 1.270000e+02 : f32
            %mul3A_80 = vector.broadcast %mul3A_79 : f32 to vector<16xf32>
            %mul3A_81 = arith.mulf %gather3A_59, %mul3A_80 : vector<16xf32>
            %sub3A = arith.subf %mul3A_75, %mul3A_67 : vector<16xf32>
            %max3A = arith.constant 0.000000e+00 : f32
            %max3A_82 = vector.broadcast %max3A : f32 to vector<16xf32>
            %max3A_83 = arith.maximumf %sub3A, %max3A_82 : vector<16xf32>
            %convert_element_type3A_84 = arith.fptosi %max3A_83 : vector<16xf32> to vector<16xi32>
            %convert_element_type3A_85 = arith.sitofp %convert_element_type3A_84 : vector<16xi32> to vector<16xf32>
            %add3A_86 = arith.addf %mul3A_75, %mul3A_67 : vector<16xf32>
            %min3A = arith.constant 1.270000e+02 : f32
            %min3A_87 = vector.broadcast %min3A : f32 to vector<16xf32>
            %min3A_88 = arith.minimumf %add3A_86, %min3A_87 : vector<16xf32>
            %convert_element_type3A_89 = arith.fptosi %min3A_88 : vector<16xf32> to vector<16xi32>
            %convert_element_type3A_90 = arith.sitofp %convert_element_type3A_89 : vector<16xi32> to vector<16xf32>
            %sub3A_91 = arith.subf %mul3A_78, %mul3A_67 : vector<16xf32>
            %max3A_92 = arith.constant 0.000000e+00 : f32
            %max3A_93 = vector.broadcast %max3A_92 : f32 to vector<16xf32>
            %max3A_94 = arith.maximumf %sub3A_91, %max3A_93 : vector<16xf32>
            %convert_element_type3A_95 = arith.fptosi %max3A_94 : vector<16xf32> to vector<16xi32>
            %convert_element_type3A_96 = arith.sitofp %convert_element_type3A_95 : vector<16xi32> to vector<16xf32>
            %add3A_97 = arith.addf %mul3A_78, %mul3A_67 : vector<16xf32>
            %min3A_98 = arith.constant 1.270000e+02 : f32
            %min3A_99 = vector.broadcast %min3A_98 : f32 to vector<16xf32>
            %min3A_100 = arith.minimumf %add3A_97, %min3A_99 : vector<16xf32>
            %convert_element_type3A_101 = arith.fptosi %min3A_100 : vector<16xf32> to vector<16xi32>
            %convert_element_type3A_102 = arith.sitofp %convert_element_type3A_101 : vector<16xi32> to vector<16xf32>
            %sub3A_103 = arith.subf %mul3A_81, %mul3A_67 : vector<16xf32>
            %max3A_104 = arith.constant 0.000000e+00 : f32
            %max3A_105 = vector.broadcast %max3A_104 : f32 to vector<16xf32>
            %max3A_106 = arith.maximumf %sub3A_103, %max3A_105 : vector<16xf32>
            %convert_element_type3A_107 = arith.fptosi %max3A_106 : vector<16xf32> to vector<16xi32>
            %convert_element_type3A_108 = arith.sitofp %convert_element_type3A_107 : vector<16xi32> to vector<16xf32>
            %add3A_109 = arith.addf %mul3A_81, %mul3A_67 : vector<16xf32>
            %min3A_110 = arith.constant 1.270000e+02 : f32
            %min3A_111 = vector.broadcast %min3A_110 : f32 to vector<16xf32>
            %min3A_112 = arith.minimumf %add3A_109, %min3A_111 : vector<16xf32>
            %convert_element_type3A_113 = arith.fptosi %min3A_112 : vector<16xf32> to vector<16xi32>
            %convert_element_type3A_114 = arith.sitofp %convert_element_type3A_113 : vector<16xi32> to vector<16xf32>
            %min3A_115 = arith.constant 1.170000e+02 : f32
            %min3A_116 = vector.broadcast %min3A_115 : f32 to vector<16xf32>
            %min3A_117 = arith.minimumf %convert_element_type3A_96, %min3A_116 : vector<16xf32>
            %min3A_118 = arith.constant 1.170000e+02 : f32
            %min3A_119 = vector.broadcast %min3A_118 : f32 to vector<16xf32>
            %min3A_120 = arith.minimumf %convert_element_type3A_108, %min3A_119 : vector<16xf32>
            %add3A_121 = arith.addf %min3A_120, %convert_element_type3A : vector<16xf32>
            %mul3A_122 = arith.constant 0.00787401571 : f32
            %mul3A_123 = vector.broadcast %mul3A_122 : f32 to vector<16xf32>
            %mul3A_124 = arith.mulf %add3A_121, %mul3A_123 : vector<16xf32>
            %sub3A_125 = arith.subf %mul3A_124, %gather3A_59 : vector<16xf32>
            %mul3A_126 = arith.mulf %sub3A_125, %sub3A_125 : vector<16xf32>
            %neg3A_127 = arith.constant 0.000000e+00 : f32
            %neg3A_128 = vector.broadcast %neg3A_127 : f32 to vector<16xf32>
            %neg3A_129 = arith.subf %neg3A_128, %mul3A_126 : vector<16xf32>
            %mul3A_130 = arith.mulf %neg3A_129, %div3A_70 : vector<16xf32>
            %exp3A = math.exp %mul3A_130 : vector<16xf32>
            %mul3A_131 = arith.mulf %exp3A, %gather3A_61 : vector<16xf32>
            %ge3A = arith.cmpf oge, %add3A_121, %convert_element_type3A_108 : vector<16xf32>
            %le3A = arith.cmpf ole, %add3A_121, %convert_element_type3A_114 : vector<16xf32>
            %and3A = arith.andi %ge3A, %le3A : vector<16xi1>
            %mul3A_132 = arith.constant 0.00787401571 : f32
            %mul3A_133 = vector.broadcast %mul3A_132 : f32 to vector<16xf32>
            %mul3A_134 = arith.mulf %min3A_117, %mul3A_133 : vector<16xf32>
            %sub3A_135 = arith.subf %mul3A_134, %gather3A_58 : vector<16xf32>
            %sub3A_136 = arith.subf %convert_element_type3A_96, %min3A_117 : vector<16xf32>
            %sub3A_137 = arith.subf %convert_element_type3A_102, %min3A_117 : vector<16xf32>
            %add3A_138 = arith.constant 0.000000e+00 : f32
            %add3A_139 = vector.broadcast %add3A_138 : f32 to vector<16xf32>
            %add3A_140 = arith.addf %sub3A_135, %add3A_139 : vector<16xf32>
            %mul3A_141 = arith.mulf %add3A_140, %add3A_140 : vector<16xf32>
            %mul3A_142 = arith.mulf %mul3A_141, %neg3A_72 : vector<16xf32>
            %exp3A_143 = math.exp %mul3A_142 : vector<16xf32>
            %le3A_144 = arith.constant 0.000000e+00 : f32
            %le3A_145 = vector.broadcast %le3A_144 : f32 to vector<16xf32>
            %le3A_146 = arith.cmpf ole, %sub3A_136, %le3A_145 : vector<16xf32>
            %ge3A_147 = arith.constant 0.000000e+00 : f32
            %ge3A_148 = vector.broadcast %ge3A_147 : f32 to vector<16xf32>
            %ge3A_149 = arith.cmpf oge, %sub3A_137, %ge3A_148 : vector<16xf32>
            %and3A_150 = arith.andi %le3A_146, %ge3A_149 : vector<16xi1>
            %jit3A = arith.constant 0.000000e+00 : f32
            %broadcast_in_dim3A_151 = vector.broadcast %jit3A : f32 to vector<16xf32>
            %select_n3A = arith.select %and3A_150, %exp3A_143, %broadcast_in_dim3A_151 : vector<16xi1>, vector<16xf32>
            %add3A_152 = arith.constant 0.00787401571 : f32
            %add3A_153 = vector.broadcast %add3A_152 : f32 to vector<16xf32>
            %add3A_154 = arith.addf %sub3A_135, %add3A_153 : vector<16xf32>
            %mul3A_155 = arith.mulf %add3A_154, %add3A_154 : vector<16xf32>
            %mul3A_156 = arith.mulf %mul3A_155, %neg3A_72 : vector<16xf32>
            %exp3A_157 = math.exp %mul3A_156 : vector<16xf32>
            %le3A_158 = arith.constant 1.000000e+00 : f32
            %le3A_159 = vector.broadcast %le3A_158 : f32 to vector<16xf32>
            %le3A_160 = arith.cmpf ole, %sub3A_136, %le3A_159 : vector<16xf32>
            %ge3A_161 = arith.constant 1.000000e+00 : f32
            %ge3A_162 = vector.broadcast %ge3A_161 : f32 to vector<16xf32>
            %ge3A_163 = arith.cmpf oge, %sub3A_137, %ge3A_162 : vector<16xf32>
            %and3A_164 = arith.andi %le3A_160, %ge3A_163 : vector<16xi1>
            %jit3A_165 = arith.constant 0.000000e+00 : f32
            %broadcast_in_dim3A_166 = vector.broadcast %jit3A_165 : f32 to vector<16xf32>
            %select_n3A_167 = arith.select %and3A_164, %exp3A_157, %broadcast_in_dim3A_166 : vector<16xi1>, vector<16xf32>
            %add3A_168 = arith.constant 0.0157480314 : f32
            %add3A_169 = vector.broadcast %add3A_168 : f32 to vector<16xf32>
            %add3A_170 = arith.addf %sub3A_135, %add3A_169 : vector<16xf32>
            %mul3A_171 = arith.mulf %add3A_170, %add3A_170 : vector<16xf32>
            %mul3A_172 = arith.mulf %mul3A_171, %neg3A_72 : vector<16xf32>
            %exp3A_173 = math.exp %mul3A_172 : vector<16xf32>
            %le3A_174 = arith.constant 2.000000e+00 : f32
            %le3A_175 = vector.broadcast %le3A_174 : f32 to vector<16xf32>
            %le3A_176 = arith.cmpf ole, %sub3A_136, %le3A_175 : vector<16xf32>
            %ge3A_177 = arith.constant 2.000000e+00 : f32
            %ge3A_178 = vector.broadcast %ge3A_177 : f32 to vector<16xf32>
            %ge3A_179 = arith.cmpf oge, %sub3A_137, %ge3A_178 : vector<16xf32>
            %and3A_180 = arith.andi %le3A_176, %ge3A_179 : vector<16xi1>
            %jit3A_181 = arith.constant 0.000000e+00 : f32
            %broadcast_in_dim3A_182 = vector.broadcast %jit3A_181 : f32 to vector<16xf32>
            %select_n3A_183 = arith.select %and3A_180, %exp3A_173, %broadcast_in_dim3A_182 : vector<16xi1>, vector<16xf32>
            %add3A_184 = arith.constant 0.0236220472 : f32
            %add3A_185 = vector.broadcast %add3A_184 : f32 to vector<16xf32>
            %add3A_186 = arith.addf %sub3A_135, %add3A_185 : vector<16xf32>
            %mul3A_187 = arith.mulf %add3A_186, %add3A_186 : vector<16xf32>
            %mul3A_188 = arith.mulf %mul3A_187, %neg3A_72 : vector<16xf32>
            %exp3A_189 = math.exp %mul3A_188 : vector<16xf32>
            %le3A_190 = arith.constant 3.000000e+00 : f32
            %le3A_191 = vector.broadcast %le3A_190 : f32 to vector<16xf32>
            %le3A_192 = arith.cmpf ole, %sub3A_136, %le3A_191 : vector<16xf32>
            %ge3A_193 = arith.constant 3.000000e+00 : f32
            %ge3A_194 = vector.broadcast %ge3A_193 : f32 to vector<16xf32>
            %ge3A_195 = arith.cmpf oge, %sub3A_137, %ge3A_194 : vector<16xf32>
            %and3A_196 = arith.andi %le3A_192, %ge3A_195 : vector<16xi1>
            %jit3A_197 = arith.constant 0.000000e+00 : f32
            %broadcast_in_dim3A_198 = vector.broadcast %jit3A_197 : f32 to vector<16xf32>
            %select_n3A_199 = arith.select %and3A_196, %exp3A_189, %broadcast_in_dim3A_198 : vector<16xi1>, vector<16xf32>
            %add3A_200 = arith.constant 0.0314960629 : f32
            %add3A_201 = vector.broadcast %add3A_200 : f32 to vector<16xf32>
            %add3A_202 = arith.addf %sub3A_135, %add3A_201 : vector<16xf32>
            %mul3A_203 = arith.mulf %add3A_202, %add3A_202 : vector<16xf32>
            %mul3A_204 = arith.mulf %mul3A_203, %neg3A_72 : vector<16xf32>
            %exp3A_205 = math.exp %mul3A_204 : vector<16xf32>
            %le3A_206 = arith.constant 4.000000e+00 : f32
            %le3A_207 = vector.broadcast %le3A_206 : f32 to vector<16xf32>
            %le3A_208 = arith.cmpf ole, %sub3A_136, %le3A_207 : vector<16xf32>
            %ge3A_209 = arith.constant 4.000000e+00 : f32
            %ge3A_210 = vector.broadcast %ge3A_209 : f32 to vector<16xf32>
            %ge3A_211 = arith.cmpf oge, %sub3A_137, %ge3A_210 : vector<16xf32>
            %and3A_212 = arith.andi %le3A_208, %ge3A_211 : vector<16xi1>
            %jit3A_213 = arith.constant 0.000000e+00 : f32
            %broadcast_in_dim3A_214 = vector.broadcast %jit3A_213 : f32 to vector<16xf32>
            %select_n3A_215 = arith.select %and3A_212, %exp3A_205, %broadcast_in_dim3A_214 : vector<16xi1>, vector<16xf32>
            %add3A_216 = arith.constant 0.0393700786 : f32
            %add3A_217 = vector.broadcast %add3A_216 : f32 to vector<16xf32>
            %add3A_218 = arith.addf %sub3A_135, %add3A_217 : vector<16xf32>
            %mul3A_219 = arith.mulf %add3A_218, %add3A_218 : vector<16xf32>
            %mul3A_220 = arith.mulf %mul3A_219, %neg3A_72 : vector<16xf32>
            %exp3A_221 = math.exp %mul3A_220 : vector<16xf32>
            %le3A_222 = arith.constant 5.000000e+00 : f32
            %le3A_223 = vector.broadcast %le3A_222 : f32 to vector<16xf32>
            %le3A_224 = arith.cmpf ole, %sub3A_136, %le3A_223 : vector<16xf32>
            %ge3A_225 = arith.constant 5.000000e+00 : f32
            %ge3A_226 = vector.broadcast %ge3A_225 : f32 to vector<16xf32>
            %ge3A_227 = arith.cmpf oge, %sub3A_137, %ge3A_226 : vector<16xf32>
            %and3A_228 = arith.andi %le3A_224, %ge3A_227 : vector<16xi1>
            %jit3A_229 = arith.constant 0.000000e+00 : f32
            %broadcast_in_dim3A_230 = vector.broadcast %jit3A_229 : f32 to vector<16xf32>
            %select_n3A_231 = arith.select %and3A_228, %exp3A_221, %broadcast_in_dim3A_230 : vector<16xi1>, vector<16xf32>
            %add3A_232 = arith.constant 0.0472440943 : f32
            %add3A_233 = vector.broadcast %add3A_232 : f32 to vector<16xf32>
            %add3A_234 = arith.addf %sub3A_135, %add3A_233 : vector<16xf32>
            %mul3A_235 = arith.mulf %add3A_234, %add3A_234 : vector<16xf32>
            %mul3A_236 = arith.mulf %mul3A_235, %neg3A_72 : vector<16xf32>
            %exp3A_237 = math.exp %mul3A_236 : vector<16xf32>
            %le3A_238 = arith.constant 6.000000e+00 : f32
            %le3A_239 = vector.broadcast %le3A_238 : f32 to vector<16xf32>
            %le3A_240 = arith.cmpf ole, %sub3A_136, %le3A_239 : vector<16xf32>
            %ge3A_241 = arith.constant 6.000000e+00 : f32
            %ge3A_242 = vector.broadcast %ge3A_241 : f32 to vector<16xf32>
            %ge3A_243 = arith.cmpf oge, %sub3A_137, %ge3A_242 : vector<16xf32>
            %and3A_244 = arith.andi %le3A_240, %ge3A_243 : vector<16xi1>
            %jit3A_245 = arith.constant 0.000000e+00 : f32
            %broadcast_in_dim3A_246 = vector.broadcast %jit3A_245 : f32 to vector<16xf32>
            %select_n3A_247 = arith.select %and3A_244, %exp3A_237, %broadcast_in_dim3A_246 : vector<16xi1>, vector<16xf32>
            %add3A_248 = arith.constant 0.05511811 : f32
            %add3A_249 = vector.broadcast %add3A_248 : f32 to vector<16xf32>
            %add3A_250 = arith.addf %sub3A_135, %add3A_249 : vector<16xf32>
            %mul3A_251 = arith.mulf %add3A_250, %add3A_250 : vector<16xf32>
            %mul3A_252 = arith.mulf %mul3A_251, %neg3A_72 : vector<16xf32>
            %exp3A_253 = math.exp %mul3A_252 : vector<16xf32>
            %le3A_254 = arith.constant 7.000000e+00 : f32
            %le3A_255 = vector.broadcast %le3A_254 : f32 to vector<16xf32>
            %le3A_256 = arith.cmpf ole, %sub3A_136, %le3A_255 : vector<16xf32>
            %ge3A_257 = arith.constant 7.000000e+00 : f32
            %ge3A_258 = vector.broadcast %ge3A_257 : f32 to vector<16xf32>
            %ge3A_259 = arith.cmpf oge, %sub3A_137, %ge3A_258 : vector<16xf32>
            %and3A_260 = arith.andi %le3A_256, %ge3A_259 : vector<16xi1>
            %jit3A_261 = arith.constant 0.000000e+00 : f32
            %broadcast_in_dim3A_262 = vector.broadcast %jit3A_261 : f32 to vector<16xf32>
            %select_n3A_263 = arith.select %and3A_260, %exp3A_253, %broadcast_in_dim3A_262 : vector<16xi1>, vector<16xf32>
            %add3A_264 = arith.constant 0.0629921257 : f32
            %add3A_265 = vector.broadcast %add3A_264 : f32 to vector<16xf32>
            %add3A_266 = arith.addf %sub3A_135, %add3A_265 : vector<16xf32>
            %mul3A_267 = arith.mulf %add3A_266, %add3A_266 : vector<16xf32>
            %mul3A_268 = arith.mulf %mul3A_267, %neg3A_72 : vector<16xf32>
            %exp3A_269 = math.exp %mul3A_268 : vector<16xf32>
            %le3A_270 = arith.constant 8.000000e+00 : f32
            %le3A_271 = vector.broadcast %le3A_270 : f32 to vector<16xf32>
            %le3A_272 = arith.cmpf ole, %sub3A_136, %le3A_271 : vector<16xf32>
            %ge3A_273 = arith.constant 8.000000e+00 : f32
            %ge3A_274 = vector.broadcast %ge3A_273 : f32 to vector<16xf32>
            %ge3A_275 = arith.cmpf oge, %sub3A_137, %ge3A_274 : vector<16xf32>
            %and3A_276 = arith.andi %le3A_272, %ge3A_275 : vector<16xi1>
            %jit3A_277 = arith.constant 0.000000e+00 : f32
            %broadcast_in_dim3A_278 = vector.broadcast %jit3A_277 : f32 to vector<16xf32>
            %select_n3A_279 = arith.select %and3A_276, %exp3A_269, %broadcast_in_dim3A_278 : vector<16xi1>, vector<16xf32>
            %add3A_280 = arith.constant 0.0708661452 : f32
            %add3A_281 = vector.broadcast %add3A_280 : f32 to vector<16xf32>
            %add3A_282 = arith.addf %sub3A_135, %add3A_281 : vector<16xf32>
            %mul3A_283 = arith.mulf %add3A_282, %add3A_282 : vector<16xf32>
            %mul3A_284 = arith.mulf %mul3A_283, %neg3A_72 : vector<16xf32>
            %exp3A_285 = math.exp %mul3A_284 : vector<16xf32>
            %le3A_286 = arith.constant 9.000000e+00 : f32
            %le3A_287 = vector.broadcast %le3A_286 : f32 to vector<16xf32>
            %le3A_288 = arith.cmpf ole, %sub3A_136, %le3A_287 : vector<16xf32>
            %ge3A_289 = arith.constant 9.000000e+00 : f32
            %ge3A_290 = vector.broadcast %ge3A_289 : f32 to vector<16xf32>
            %ge3A_291 = arith.cmpf oge, %sub3A_137, %ge3A_290 : vector<16xf32>
            %and3A_292 = arith.andi %le3A_288, %ge3A_291 : vector<16xi1>
            %jit3A_293 = arith.constant 0.000000e+00 : f32
            %broadcast_in_dim3A_294 = vector.broadcast %jit3A_293 : f32 to vector<16xf32>
            %select_n3A_295 = arith.select %and3A_292, %exp3A_285, %broadcast_in_dim3A_294 : vector<16xi1>, vector<16xf32>
            %add3A_296 = arith.constant 0.0787401571 : f32
            %add3A_297 = vector.broadcast %add3A_296 : f32 to vector<16xf32>
            %add3A_298 = arith.addf %sub3A_135, %add3A_297 : vector<16xf32>
            %mul3A_299 = arith.mulf %add3A_298, %add3A_298 : vector<16xf32>
            %mul3A_300 = arith.mulf %mul3A_299, %neg3A_72 : vector<16xf32>
            %exp3A_301 = math.exp %mul3A_300 : vector<16xf32>
            %le3A_302 = arith.constant 1.000000e+01 : f32
            %le3A_303 = vector.broadcast %le3A_302 : f32 to vector<16xf32>
            %le3A_304 = arith.cmpf ole, %sub3A_136, %le3A_303 : vector<16xf32>
            %ge3A_305 = arith.constant 1.000000e+01 : f32
            %ge3A_306 = vector.broadcast %ge3A_305 : f32 to vector<16xf32>
            %ge3A_307 = arith.cmpf oge, %sub3A_137, %ge3A_306 : vector<16xf32>
            %and3A_308 = arith.andi %le3A_304, %ge3A_307 : vector<16xi1>
            %jit3A_309 = arith.constant 0.000000e+00 : f32
            %broadcast_in_dim3A_310 = vector.broadcast %jit3A_309 : f32 to vector<16xf32>
            %select_n3A_311 = arith.select %and3A_308, %exp3A_301, %broadcast_in_dim3A_310 : vector<16xi1>, vector<16xf32>
            %mul3A_312 = arith.constant 1.280000e+02 : f32
            %mul3A_313 = vector.broadcast %mul3A_312 : f32 to vector<16xf32>
            %mul3A_314 = arith.mulf %min3A_117, %mul3A_313 : vector<16xf32>
            %add3A_315 = arith.addf %mul3A_314, %min3A_120 : vector<16xf32>
            %convert_element_type3A_316 = arith.fptosi %add3A_315 : vector<16xf32> to vector<16xi32>
            %add3A_317 = arith.addi %convert_element_type3A_316, %iota3A : vector<16xi32>
            %add3A_318 = arith.constant 0 : i32
            %add3A_319 = vector.broadcast %add3A_318 : i32 to vector<16xi32>
            %add3A_320 = arith.addi %add3A_317, %add3A_319 : vector<16xi32>
            %add3A_321 = arith.constant 128 : i32
            %add3A_322 = vector.broadcast %add3A_321 : i32 to vector<16xi32>
            %add3A_323 = arith.addi %add3A_317, %add3A_322 : vector<16xi32>
            %add3A_324 = arith.constant 256 : i32
            %add3A_325 = vector.broadcast %add3A_324 : i32 to vector<16xi32>
            %add3A_326 = arith.addi %add3A_317, %add3A_325 : vector<16xi32>
            %add3A_327 = arith.constant 384 : i32
            %add3A_328 = vector.broadcast %add3A_327 : i32 to vector<16xi32>
            %add3A_329 = arith.addi %add3A_317, %add3A_328 : vector<16xi32>
            %add3A_330 = arith.constant 512 : i32
            %add3A_331 = vector.broadcast %add3A_330 : i32 to vector<16xi32>
            %add3A_332 = arith.addi %add3A_317, %add3A_331 : vector<16xi32>
            %add3A_333 = arith.constant 640 : i32
            %add3A_334 = vector.broadcast %add3A_333 : i32 to vector<16xi32>
            %add3A_335 = arith.addi %add3A_317, %add3A_334 : vector<16xi32>
            %add3A_336 = arith.constant 768 : i32
            %add3A_337 = vector.broadcast %add3A_336 : i32 to vector<16xi32>
            %add3A_338 = arith.addi %add3A_317, %add3A_337 : vector<16xi32>
            %add3A_339 = arith.constant 896 : i32
            %add3A_340 = vector.broadcast %add3A_339 : i32 to vector<16xi32>
            %add3A_341 = arith.addi %add3A_317, %add3A_340 : vector<16xi32>
            %add3A_342 = arith.constant 1024 : i32
            %add3A_343 = vector.broadcast %add3A_342 : i32 to vector<16xi32>
            %add3A_344 = arith.addi %add3A_317, %add3A_343 : vector<16xi32>
            %add3A_345 = arith.constant 1152 : i32
            %add3A_346 = vector.broadcast %add3A_345 : i32 to vector<16xi32>
            %add3A_347 = arith.addi %add3A_317, %add3A_346 : vector<16xi32>
            %add3A_348 = arith.constant 1280 : i32
            %add3A_349 = vector.broadcast %add3A_348 : i32 to vector<16xi32>
            %add3A_350 = arith.addi %add3A_317, %add3A_349 : vector<16xi32>
            %add3A_351 = arith.constant 0.000000e+00 : f32
            %add3A_352 = vector.broadcast %add3A_351 : f32 to vector<16xf32>
            %add3A_353 = arith.addf %convert_element_type3A_10, %add3A_352 : vector<16xf32>
            %mul3A_354 = arith.constant 0.00787401571 : f32
            %mul3A_355 = vector.broadcast %mul3A_354 : f32 to vector<16xf32>
            %mul3A_356 = arith.mulf %add3A_353, %mul3A_355 : vector<16xf32>
            %sub3A_357 = arith.subf %mul3A_356, %gather3A_57 : vector<16xf32>
            %mul3A_358 = arith.mulf %sub3A_357, %sub3A_357 : vector<16xf32>
            %neg3A_359 = arith.constant 0.000000e+00 : f32
            %neg3A_360 = vector.broadcast %neg3A_359 : f32 to vector<16xf32>
            %neg3A_361 = arith.subf %neg3A_360, %mul3A_358 : vector<16xf32>
            %mul3A_362 = arith.mulf %neg3A_361, %div3A_70 : vector<16xf32>
            %exp3A_363 = math.exp %mul3A_362 : vector<16xf32>
            %mul3A_364 = arith.mulf %exp3A_363, %mul3A_131 : vector<16xf32>
            %ge3A_365 = arith.cmpf oge, %add3A_353, %convert_element_type3A_85 : vector<16xf32>
            %le3A_366 = arith.cmpf ole, %add3A_353, %convert_element_type3A_90 : vector<16xf32>
            %and3A_367 = arith.andi %ge3A_365, %le3A_366 : vector<16xi1>
            %and3A_368 = arith.andi %and3A, %and3A_367 : vector<16xi1>
            %mul3A_369 = arith.mulf %mul3A_364, %select_n3A : vector<16xf32>
            %scatter3A = arith.constant 0 : i32
            %scatter3A_370 = tpu.memref_slice %arg14[%scatter3A] : memref<65536xf32, #tpu.memory_space<vmem>> -> memref<16384xf32, #tpu.memory_space<vmem>>
            tpu.vector_store_idx %scatter3A_370[%add3A_320], %mul3A_369 masked %and3A_368 {add = true} : memref<16384xf32, #tpu.memory_space<vmem>>[vector<16xi32>], vector<16xf32>, vector<16xi1>
            %mul3A_371 = arith.mulf %mul3A_364, %select_n3A_167 : vector<16xf32>
            %scatter3A_372 = arith.constant 0 : i32
            %scatter3A_373 = tpu.memref_slice %arg14[%scatter3A_372] : memref<65536xf32, #tpu.memory_space<vmem>> -> memref<16384xf32, #tpu.memory_space<vmem>>
            tpu.vector_store_idx %scatter3A_373[%add3A_323], %mul3A_371 masked %and3A_368 {add = true} : memref<16384xf32, #tpu.memory_space<vmem>>[vector<16xi32>], vector<16xf32>, vector<16xi1>
            %mul3A_374 = arith.mulf %mul3A_364, %select_n3A_183 : vector<16xf32>
            %scatter3A_375 = arith.constant 0 : i32
            %scatter3A_376 = tpu.memref_slice %arg14[%scatter3A_375] : memref<65536xf32, #tpu.memory_space<vmem>> -> memref<16384xf32, #tpu.memory_space<vmem>>
            tpu.vector_store_idx %scatter3A_376[%add3A_326], %mul3A_374 masked %and3A_368 {add = true} : memref<16384xf32, #tpu.memory_space<vmem>>[vector<16xi32>], vector<16xf32>, vector<16xi1>
            %mul3A_377 = arith.mulf %mul3A_364, %select_n3A_199 : vector<16xf32>
            %scatter3A_378 = arith.constant 0 : i32
            %scatter3A_379 = tpu.memref_slice %arg14[%scatter3A_378] : memref<65536xf32, #tpu.memory_space<vmem>> -> memref<16384xf32, #tpu.memory_space<vmem>>
            tpu.vector_store_idx %scatter3A_379[%add3A_329], %mul3A_377 masked %and3A_368 {add = true} : memref<16384xf32, #tpu.memory_space<vmem>>[vector<16xi32>], vector<16xf32>, vector<16xi1>
            %mul3A_380 = arith.mulf %mul3A_364, %select_n3A_215 : vector<16xf32>
            %scatter3A_381 = arith.constant 0 : i32
            %scatter3A_382 = tpu.memref_slice %arg14[%scatter3A_381] : memref<65536xf32, #tpu.memory_space<vmem>> -> memref<16384xf32, #tpu.memory_space<vmem>>
            tpu.vector_store_idx %scatter3A_382[%add3A_332], %mul3A_380 masked %and3A_368 {add = true} : memref<16384xf32, #tpu.memory_space<vmem>>[vector<16xi32>], vector<16xf32>, vector<16xi1>
            %mul3A_383 = arith.mulf %mul3A_364, %select_n3A_231 : vector<16xf32>
            %scatter3A_384 = arith.constant 0 : i32
            %scatter3A_385 = tpu.memref_slice %arg14[%scatter3A_384] : memref<65536xf32, #tpu.memory_space<vmem>> -> memref<16384xf32, #tpu.memory_space<vmem>>
            tpu.vector_store_idx %scatter3A_385[%add3A_335], %mul3A_383 masked %and3A_368 {add = true} : memref<16384xf32, #tpu.memory_space<vmem>>[vector<16xi32>], vector<16xf32>, vector<16xi1>
            %mul3A_386 = arith.mulf %mul3A_364, %select_n3A_247 : vector<16xf32>
            %scatter3A_387 = arith.constant 0 : i32
            %scatter3A_388 = tpu.memref_slice %arg14[%scatter3A_387] : memref<65536xf32, #tpu.memory_space<vmem>> -> memref<16384xf32, #tpu.memory_space<vmem>>
            tpu.vector_store_idx %scatter3A_388[%add3A_338], %mul3A_386 masked %and3A_368 {add = true} : memref<16384xf32, #tpu.memory_space<vmem>>[vector<16xi32>], vector<16xf32>, vector<16xi1>
            %mul3A_389 = arith.mulf %mul3A_364, %select_n3A_263 : vector<16xf32>
            %scatter3A_390 = arith.constant 0 : i32
            %scatter3A_391 = tpu.memref_slice %arg14[%scatter3A_390] : memref<65536xf32, #tpu.memory_space<vmem>> -> memref<16384xf32, #tpu.memory_space<vmem>>
            tpu.vector_store_idx %scatter3A_391[%add3A_341], %mul3A_389 masked %and3A_368 {add = true} : memref<16384xf32, #tpu.memory_space<vmem>>[vector<16xi32>], vector<16xf32>, vector<16xi1>
            %mul3A_392 = arith.mulf %mul3A_364, %select_n3A_279 : vector<16xf32>
            %scatter3A_393 = arith.constant 0 : i32
            %scatter3A_394 = tpu.memref_slice %arg14[%scatter3A_393] : memref<65536xf32, #tpu.memory_space<vmem>> -> memref<16384xf32, #tpu.memory_space<vmem>>
            tpu.vector_store_idx %scatter3A_394[%add3A_344], %mul3A_392 masked %and3A_368 {add = true} : memref<16384xf32, #tpu.memory_space<vmem>>[vector<16xi32>], vector<16xf32>, vector<16xi1>
            %mul3A_395 = arith.mulf %mul3A_364, %select_n3A_295 : vector<16xf32>
            %scatter3A_396 = arith.constant 0 : i32
            %scatter3A_397 = tpu.memref_slice %arg14[%scatter3A_396] : memref<65536xf32, #tpu.memory_space<vmem>> -> memref<16384xf32, #tpu.memory_space<vmem>>
            tpu.vector_store_idx %scatter3A_397[%add3A_347], %mul3A_395 masked %and3A_368 {add = true} : memref<16384xf32, #tpu.memory_space<vmem>>[vector<16xi32>], vector<16xf32>, vector<16xi1>
            %mul3A_398 = arith.mulf %mul3A_364, %select_n3A_311 : vector<16xf32>
            %scatter3A_399 = arith.constant 0 : i32
            %scatter3A_400 = tpu.memref_slice %arg14[%scatter3A_399] : memref<65536xf32, #tpu.memory_space<vmem>> -> memref<16384xf32, #tpu.memory_space<vmem>>
            tpu.vector_store_idx %scatter3A_400[%add3A_350], %mul3A_398 masked %and3A_368 {add = true} : memref<16384xf32, #tpu.memory_space<vmem>>[vector<16xi32>], vector<16xf32>, vector<16xi1>
            %add3A_401 = arith.constant 1.000000e+00 : f32
            %add3A_402 = vector.broadcast %add3A_401 : f32 to vector<16xf32>
            %add3A_403 = arith.addf %convert_element_type3A_10, %add3A_402 : vector<16xf32>
            %mul3A_404 = arith.constant 0.00787401571 : f32
            %mul3A_405 = vector.broadcast %mul3A_404 : f32 to vector<16xf32>
            %mul3A_406 = arith.mulf %add3A_403, %mul3A_405 : vector<16xf32>
            %sub3A_407 = arith.subf %mul3A_406, %gather3A_57 : vector<16xf32>
            %mul3A_408 = arith.mulf %sub3A_407, %sub3A_407 : vector<16xf32>
            %neg3A_409 = arith.constant 0.000000e+00 : f32
            %neg3A_410 = vector.broadcast %neg3A_409 : f32 to vector<16xf32>
            %neg3A_411 = arith.subf %neg3A_410, %mul3A_408 : vector<16xf32>
            %mul3A_412 = arith.mulf %neg3A_411, %div3A_70 : vector<16xf32>
            %exp3A_413 = math.exp %mul3A_412 : vector<16xf32>
            %mul3A_414 = arith.mulf %exp3A_413, %mul3A_131 : vector<16xf32>
            %ge3A_415 = arith.cmpf oge, %add3A_403, %convert_element_type3A_85 : vector<16xf32>
            %le3A_416 = arith.cmpf ole, %add3A_403, %convert_element_type3A_90 : vector<16xf32>
            %and3A_417 = arith.andi %ge3A_415, %le3A_416 : vector<16xi1>
            %and3A_418 = arith.andi %and3A, %and3A_417 : vector<16xi1>
            %mul3A_419 = arith.mulf %mul3A_414, %select_n3A : vector<16xf32>
            %scatter3A_420 = arith.constant 16384 : i32
            %scatter3A_421 = tpu.memref_slice %arg14[%scatter3A_420] : memref<65536xf32, #tpu.memory_space<vmem>> -> memref<16384xf32, #tpu.memory_space<vmem>>
            tpu.vector_store_idx %scatter3A_421[%add3A_320], %mul3A_419 masked %and3A_418 {add = true} : memref<16384xf32, #tpu.memory_space<vmem>>[vector<16xi32>], vector<16xf32>, vector<16xi1>
            %mul3A_422 = arith.mulf %mul3A_414, %select_n3A_167 : vector<16xf32>
            %scatter3A_423 = arith.constant 16384 : i32
            %scatter3A_424 = tpu.memref_slice %arg14[%scatter3A_423] : memref<65536xf32, #tpu.memory_space<vmem>> -> memref<16384xf32, #tpu.memory_space<vmem>>
            tpu.vector_store_idx %scatter3A_424[%add3A_323], %mul3A_422 masked %and3A_418 {add = true} : memref<16384xf32, #tpu.memory_space<vmem>>[vector<16xi32>], vector<16xf32>, vector<16xi1>
            %mul3A_425 = arith.mulf %mul3A_414, %select_n3A_183 : vector<16xf32>
            %scatter3A_426 = arith.constant 16384 : i32
            %scatter3A_427 = tpu.memref_slice %arg14[%scatter3A_426] : memref<65536xf32, #tpu.memory_space<vmem>> -> memref<16384xf32, #tpu.memory_space<vmem>>
            tpu.vector_store_idx %scatter3A_427[%add3A_326], %mul3A_425 masked %and3A_418 {add = true} : memref<16384xf32, #tpu.memory_space<vmem>>[vector<16xi32>], vector<16xf32>, vector<16xi1>
            %mul3A_428 = arith.mulf %mul3A_414, %select_n3A_199 : vector<16xf32>
            %scatter3A_429 = arith.constant 16384 : i32
            %scatter3A_430 = tpu.memref_slice %arg14[%scatter3A_429] : memref<65536xf32, #tpu.memory_space<vmem>> -> memref<16384xf32, #tpu.memory_space<vmem>>
            tpu.vector_store_idx %scatter3A_430[%add3A_329], %mul3A_428 masked %and3A_418 {add = true} : memref<16384xf32, #tpu.memory_space<vmem>>[vector<16xi32>], vector<16xf32>, vector<16xi1>
            %mul3A_431 = arith.mulf %mul3A_414, %select_n3A_215 : vector<16xf32>
            %scatter3A_432 = arith.constant 16384 : i32
            %scatter3A_433 = tpu.memref_slice %arg14[%scatter3A_432] : memref<65536xf32, #tpu.memory_space<vmem>> -> memref<16384xf32, #tpu.memory_space<vmem>>
            tpu.vector_store_idx %scatter3A_433[%add3A_332], %mul3A_431 masked %and3A_418 {add = true} : memref<16384xf32, #tpu.memory_space<vmem>>[vector<16xi32>], vector<16xf32>, vector<16xi1>
            %mul3A_434 = arith.mulf %mul3A_414, %select_n3A_231 : vector<16xf32>
            %scatter3A_435 = arith.constant 16384 : i32
            %scatter3A_436 = tpu.memref_slice %arg14[%scatter3A_435] : memref<65536xf32, #tpu.memory_space<vmem>> -> memref<16384xf32, #tpu.memory_space<vmem>>
            tpu.vector_store_idx %scatter3A_436[%add3A_335], %mul3A_434 masked %and3A_418 {add = true} : memref<16384xf32, #tpu.memory_space<vmem>>[vector<16xi32>], vector<16xf32>, vector<16xi1>
            %mul3A_437 = arith.mulf %mul3A_414, %select_n3A_247 : vector<16xf32>
            %scatter3A_438 = arith.constant 16384 : i32
            %scatter3A_439 = tpu.memref_slice %arg14[%scatter3A_438] : memref<65536xf32, #tpu.memory_space<vmem>> -> memref<16384xf32, #tpu.memory_space<vmem>>
            tpu.vector_store_idx %scatter3A_439[%add3A_338], %mul3A_437 masked %and3A_418 {add = true} : memref<16384xf32, #tpu.memory_space<vmem>>[vector<16xi32>], vector<16xf32>, vector<16xi1>
            %mul3A_440 = arith.mulf %mul3A_414, %select_n3A_263 : vector<16xf32>
            %scatter3A_441 = arith.constant 16384 : i32
            %scatter3A_442 = tpu.memref_slice %arg14[%scatter3A_441] : memref<65536xf32, #tpu.memory_space<vmem>> -> memref<16384xf32, #tpu.memory_space<vmem>>
            tpu.vector_store_idx %scatter3A_442[%add3A_341], %mul3A_440 masked %and3A_418 {add = true} : memref<16384xf32, #tpu.memory_space<vmem>>[vector<16xi32>], vector<16xf32>, vector<16xi1>
            %mul3A_443 = arith.mulf %mul3A_414, %select_n3A_279 : vector<16xf32>
            %scatter3A_444 = arith.constant 16384 : i32
            %scatter3A_445 = tpu.memref_slice %arg14[%scatter3A_444] : memref<65536xf32, #tpu.memory_space<vmem>> -> memref<16384xf32, #tpu.memory_space<vmem>>
            tpu.vector_store_idx %scatter3A_445[%add3A_344], %mul3A_443 masked %and3A_418 {add = true} : memref<16384xf32, #tpu.memory_space<vmem>>[vector<16xi32>], vector<16xf32>, vector<16xi1>
            %mul3A_446 = arith.mulf %mul3A_414, %select_n3A_295 : vector<16xf32>
            %scatter3A_447 = arith.constant 16384 : i32
            %scatter3A_448 = tpu.memref_slice %arg14[%scatter3A_447] : memref<65536xf32, #tpu.memory_space<vmem>> -> memref<16384xf32, #tpu.memory_space<vmem>>
            tpu.vector_store_idx %scatter3A_448[%add3A_347], %mul3A_446 masked %and3A_418 {add = true} : memref<16384xf32, #tpu.memory_space<vmem>>[vector<16xi32>], vector<16xf32>, vector<16xi1>
            %mul3A_449 = arith.mulf %mul3A_414, %select_n3A_311 : vector<16xf32>
            %scatter3A_450 = arith.constant 16384 : i32
            %scatter3A_451 = tpu.memref_slice %arg14[%scatter3A_450] : memref<65536xf32, #tpu.memory_space<vmem>> -> memref<16384xf32, #tpu.memory_space<vmem>>
            tpu.vector_store_idx %scatter3A_451[%add3A_350], %mul3A_449 masked %and3A_418 {add = true} : memref<16384xf32, #tpu.memory_space<vmem>>[vector<16xi32>], vector<16xf32>, vector<16xi1>
            %add3A_452 = arith.constant 2.000000e+00 : f32
            %add3A_453 = vector.broadcast %add3A_452 : f32 to vector<16xf32>
            %add3A_454 = arith.addf %convert_element_type3A_10, %add3A_453 : vector<16xf32>
            %mul3A_455 = arith.constant 0.00787401571 : f32
            %mul3A_456 = vector.broadcast %mul3A_455 : f32 to vector<16xf32>
            %mul3A_457 = arith.mulf %add3A_454, %mul3A_456 : vector<16xf32>
            %sub3A_458 = arith.subf %mul3A_457, %gather3A_57 : vector<16xf32>
            %mul3A_459 = arith.mulf %sub3A_458, %sub3A_458 : vector<16xf32>
            %neg3A_460 = arith.constant 0.000000e+00 : f32
            %neg3A_461 = vector.broadcast %neg3A_460 : f32 to vector<16xf32>
            %neg3A_462 = arith.subf %neg3A_461, %mul3A_459 : vector<16xf32>
            %mul3A_463 = arith.mulf %neg3A_462, %div3A_70 : vector<16xf32>
            %exp3A_464 = math.exp %mul3A_463 : vector<16xf32>
            %mul3A_465 = arith.mulf %exp3A_464, %mul3A_131 : vector<16xf32>
            %ge3A_466 = arith.cmpf oge, %add3A_454, %convert_element_type3A_85 : vector<16xf32>
            %le3A_467 = arith.cmpf ole, %add3A_454, %convert_element_type3A_90 : vector<16xf32>
            %and3A_468 = arith.andi %ge3A_466, %le3A_467 : vector<16xi1>
            %and3A_469 = arith.andi %and3A, %and3A_468 : vector<16xi1>
            %mul3A_470 = arith.mulf %mul3A_465, %select_n3A : vector<16xf32>
            %scatter3A_471 = arith.constant 32768 : i32
            %scatter3A_472 = tpu.memref_slice %arg14[%scatter3A_471] : memref<65536xf32, #tpu.memory_space<vmem>> -> memref<16384xf32, #tpu.memory_space<vmem>>
            tpu.vector_store_idx %scatter3A_472[%add3A_320], %mul3A_470 masked %and3A_469 {add = true} : memref<16384xf32, #tpu.memory_space<vmem>>[vector<16xi32>], vector<16xf32>, vector<16xi1>
            %mul3A_473 = arith.mulf %mul3A_465, %select_n3A_167 : vector<16xf32>
            %scatter3A_474 = arith.constant 32768 : i32
            %scatter3A_475 = tpu.memref_slice %arg14[%scatter3A_474] : memref<65536xf32, #tpu.memory_space<vmem>> -> memref<16384xf32, #tpu.memory_space<vmem>>
            tpu.vector_store_idx %scatter3A_475[%add3A_323], %mul3A_473 masked %and3A_469 {add = true} : memref<16384xf32, #tpu.memory_space<vmem>>[vector<16xi32>], vector<16xf32>, vector<16xi1>
            %mul3A_476 = arith.mulf %mul3A_465, %select_n3A_183 : vector<16xf32>
            %scatter3A_477 = arith.constant 32768 : i32
            %scatter3A_478 = tpu.memref_slice %arg14[%scatter3A_477] : memref<65536xf32, #tpu.memory_space<vmem>> -> memref<16384xf32, #tpu.memory_space<vmem>>
            tpu.vector_store_idx %scatter3A_478[%add3A_326], %mul3A_476 masked %and3A_469 {add = true} : memref<16384xf32, #tpu.memory_space<vmem>>[vector<16xi32>], vector<16xf32>, vector<16xi1>
            %mul3A_479 = arith.mulf %mul3A_465, %select_n3A_199 : vector<16xf32>
            %scatter3A_480 = arith.constant 32768 : i32
            %scatter3A_481 = tpu.memref_slice %arg14[%scatter3A_480] : memref<65536xf32, #tpu.memory_space<vmem>> -> memref<16384xf32, #tpu.memory_space<vmem>>
            tpu.vector_store_idx %scatter3A_481[%add3A_329], %mul3A_479 masked %and3A_469 {add = true} : memref<16384xf32, #tpu.memory_space<vmem>>[vector<16xi32>], vector<16xf32>, vector<16xi1>
            %mul3A_482 = arith.mulf %mul3A_465, %select_n3A_215 : vector<16xf32>
            %scatter3A_483 = arith.constant 32768 : i32
            %scatter3A_484 = tpu.memref_slice %arg14[%scatter3A_483] : memref<65536xf32, #tpu.memory_space<vmem>> -> memref<16384xf32, #tpu.memory_space<vmem>>
            tpu.vector_store_idx %scatter3A_484[%add3A_332], %mul3A_482 masked %and3A_469 {add = true} : memref<16384xf32, #tpu.memory_space<vmem>>[vector<16xi32>], vector<16xf32>, vector<16xi1>
            %mul3A_485 = arith.mulf %mul3A_465, %select_n3A_231 : vector<16xf32>
            %scatter3A_486 = arith.constant 32768 : i32
            %scatter3A_487 = tpu.memref_slice %arg14[%scatter3A_486] : memref<65536xf32, #tpu.memory_space<vmem>> -> memref<16384xf32, #tpu.memory_space<vmem>>
            tpu.vector_store_idx %scatter3A_487[%add3A_335], %mul3A_485 masked %and3A_469 {add = true} : memref<16384xf32, #tpu.memory_space<vmem>>[vector<16xi32>], vector<16xf32>, vector<16xi1>
            %mul3A_488 = arith.mulf %mul3A_465, %select_n3A_247 : vector<16xf32>
            %scatter3A_489 = arith.constant 32768 : i32
            %scatter3A_490 = tpu.memref_slice %arg14[%scatter3A_489] : memref<65536xf32, #tpu.memory_space<vmem>> -> memref<16384xf32, #tpu.memory_space<vmem>>
            tpu.vector_store_idx %scatter3A_490[%add3A_338], %mul3A_488 masked %and3A_469 {add = true} : memref<16384xf32, #tpu.memory_space<vmem>>[vector<16xi32>], vector<16xf32>, vector<16xi1>
            %mul3A_491 = arith.mulf %mul3A_465, %select_n3A_263 : vector<16xf32>
            %scatter3A_492 = arith.constant 32768 : i32
            %scatter3A_493 = tpu.memref_slice %arg14[%scatter3A_492] : memref<65536xf32, #tpu.memory_space<vmem>> -> memref<16384xf32, #tpu.memory_space<vmem>>
            tpu.vector_store_idx %scatter3A_493[%add3A_341], %mul3A_491 masked %and3A_469 {add = true} : memref<16384xf32, #tpu.memory_space<vmem>>[vector<16xi32>], vector<16xf32>, vector<16xi1>
            %mul3A_494 = arith.mulf %mul3A_465, %select_n3A_279 : vector<16xf32>
            %scatter3A_495 = arith.constant 32768 : i32
            %scatter3A_496 = tpu.memref_slice %arg14[%scatter3A_495] : memref<65536xf32, #tpu.memory_space<vmem>> -> memref<16384xf32, #tpu.memory_space<vmem>>
            tpu.vector_store_idx %scatter3A_496[%add3A_344], %mul3A_494 masked %and3A_469 {add = true} : memref<16384xf32, #tpu.memory_space<vmem>>[vector<16xi32>], vector<16xf32>, vector<16xi1>
            %mul3A_497 = arith.mulf %mul3A_465, %select_n3A_295 : vector<16xf32>
            %scatter3A_498 = arith.constant 32768 : i32
            %scatter3A_499 = tpu.memref_slice %arg14[%scatter3A_498] : memref<65536xf32, #tpu.memory_space<vmem>> -> memref<16384xf32, #tpu.memory_space<vmem>>
            tpu.vector_store_idx %scatter3A_499[%add3A_347], %mul3A_497 masked %and3A_469 {add = true} : memref<16384xf32, #tpu.memory_space<vmem>>[vector<16xi32>], vector<16xf32>, vector<16xi1>
            %mul3A_500 = arith.mulf %mul3A_465, %select_n3A_311 : vector<16xf32>
            %scatter3A_501 = arith.constant 32768 : i32
            %scatter3A_502 = tpu.memref_slice %arg14[%scatter3A_501] : memref<65536xf32, #tpu.memory_space<vmem>> -> memref<16384xf32, #tpu.memory_space<vmem>>
            tpu.vector_store_idx %scatter3A_502[%add3A_350], %mul3A_500 masked %and3A_469 {add = true} : memref<16384xf32, #tpu.memory_space<vmem>>[vector<16xi32>], vector<16xf32>, vector<16xi1>
            %add3A_503 = arith.constant 3.000000e+00 : f32
            %add3A_504 = vector.broadcast %add3A_503 : f32 to vector<16xf32>
            %add3A_505 = arith.addf %convert_element_type3A_10, %add3A_504 : vector<16xf32>
            %mul3A_506 = arith.constant 0.00787401571 : f32
            %mul3A_507 = vector.broadcast %mul3A_506 : f32 to vector<16xf32>
            %mul3A_508 = arith.mulf %add3A_505, %mul3A_507 : vector<16xf32>
            %sub3A_509 = arith.subf %mul3A_508, %gather3A_57 : vector<16xf32>
            %mul3A_510 = arith.mulf %sub3A_509, %sub3A_509 : vector<16xf32>
            %neg3A_511 = arith.constant 0.000000e+00 : f32
            %neg3A_512 = vector.broadcast %neg3A_511 : f32 to vector<16xf32>
            %neg3A_513 = arith.subf %neg3A_512, %mul3A_510 : vector<16xf32>
            %mul3A_514 = arith.mulf %neg3A_513, %div3A_70 : vector<16xf32>
            %exp3A_515 = math.exp %mul3A_514 : vector<16xf32>
            %mul3A_516 = arith.mulf %exp3A_515, %mul3A_131 : vector<16xf32>
            %ge3A_517 = arith.cmpf oge, %add3A_505, %convert_element_type3A_85 : vector<16xf32>
            %le3A_518 = arith.cmpf ole, %add3A_505, %convert_element_type3A_90 : vector<16xf32>
            %and3A_519 = arith.andi %ge3A_517, %le3A_518 : vector<16xi1>
            %and3A_520 = arith.andi %and3A, %and3A_519 : vector<16xi1>
            %mul3A_521 = arith.mulf %mul3A_516, %select_n3A : vector<16xf32>
            %scatter3A_522 = arith.constant 49152 : i32
            %scatter3A_523 = tpu.memref_slice %arg14[%scatter3A_522] : memref<65536xf32, #tpu.memory_space<vmem>> -> memref<16384xf32, #tpu.memory_space<vmem>>
            tpu.vector_store_idx %scatter3A_523[%add3A_320], %mul3A_521 masked %and3A_520 {add = true} : memref<16384xf32, #tpu.memory_space<vmem>>[vector<16xi32>], vector<16xf32>, vector<16xi1>
            %mul3A_524 = arith.mulf %mul3A_516, %select_n3A_167 : vector<16xf32>
            %scatter3A_525 = arith.constant 49152 : i32
            %scatter3A_526 = tpu.memref_slice %arg14[%scatter3A_525] : memref<65536xf32, #tpu.memory_space<vmem>> -> memref<16384xf32, #tpu.memory_space<vmem>>
            tpu.vector_store_idx %scatter3A_526[%add3A_323], %mul3A_524 masked %and3A_520 {add = true} : memref<16384xf32, #tpu.memory_space<vmem>>[vector<16xi32>], vector<16xf32>, vector<16xi1>
            %mul3A_527 = arith.mulf %mul3A_516, %select_n3A_183 : vector<16xf32>
            %scatter3A_528 = arith.constant 49152 : i32
            %scatter3A_529 = tpu.memref_slice %arg14[%scatter3A_528] : memref<65536xf32, #tpu.memory_space<vmem>> -> memref<16384xf32, #tpu.memory_space<vmem>>
            tpu.vector_store_idx %scatter3A_529[%add3A_326], %mul3A_527 masked %and3A_520 {add = true} : memref<16384xf32, #tpu.memory_space<vmem>>[vector<16xi32>], vector<16xf32>, vector<16xi1>
            %mul3A_530 = arith.mulf %mul3A_516, %select_n3A_199 : vector<16xf32>
            %scatter3A_531 = arith.constant 49152 : i32
            %scatter3A_532 = tpu.memref_slice %arg14[%scatter3A_531] : memref<65536xf32, #tpu.memory_space<vmem>> -> memref<16384xf32, #tpu.memory_space<vmem>>
            tpu.vector_store_idx %scatter3A_532[%add3A_329], %mul3A_530 masked %and3A_520 {add = true} : memref<16384xf32, #tpu.memory_space<vmem>>[vector<16xi32>], vector<16xf32>, vector<16xi1>
            %mul3A_533 = arith.mulf %mul3A_516, %select_n3A_215 : vector<16xf32>
            %scatter3A_534 = arith.constant 49152 : i32
            %scatter3A_535 = tpu.memref_slice %arg14[%scatter3A_534] : memref<65536xf32, #tpu.memory_space<vmem>> -> memref<16384xf32, #tpu.memory_space<vmem>>
            tpu.vector_store_idx %scatter3A_535[%add3A_332], %mul3A_533 masked %and3A_520 {add = true} : memref<16384xf32, #tpu.memory_space<vmem>>[vector<16xi32>], vector<16xf32>, vector<16xi1>
            %mul3A_536 = arith.mulf %mul3A_516, %select_n3A_231 : vector<16xf32>
            %scatter3A_537 = arith.constant 49152 : i32
            %scatter3A_538 = tpu.memref_slice %arg14[%scatter3A_537] : memref<65536xf32, #tpu.memory_space<vmem>> -> memref<16384xf32, #tpu.memory_space<vmem>>
            tpu.vector_store_idx %scatter3A_538[%add3A_335], %mul3A_536 masked %and3A_520 {add = true} : memref<16384xf32, #tpu.memory_space<vmem>>[vector<16xi32>], vector<16xf32>, vector<16xi1>
            %mul3A_539 = arith.mulf %mul3A_516, %select_n3A_247 : vector<16xf32>
            %scatter3A_540 = arith.constant 49152 : i32
            %scatter3A_541 = tpu.memref_slice %arg14[%scatter3A_540] : memref<65536xf32, #tpu.memory_space<vmem>> -> memref<16384xf32, #tpu.memory_space<vmem>>
            tpu.vector_store_idx %scatter3A_541[%add3A_338], %mul3A_539 masked %and3A_520 {add = true} : memref<16384xf32, #tpu.memory_space<vmem>>[vector<16xi32>], vector<16xf32>, vector<16xi1>
            %mul3A_542 = arith.mulf %mul3A_516, %select_n3A_263 : vector<16xf32>
            %scatter3A_543 = arith.constant 49152 : i32
            %scatter3A_544 = tpu.memref_slice %arg14[%scatter3A_543] : memref<65536xf32, #tpu.memory_space<vmem>> -> memref<16384xf32, #tpu.memory_space<vmem>>
            tpu.vector_store_idx %scatter3A_544[%add3A_341], %mul3A_542 masked %and3A_520 {add = true} : memref<16384xf32, #tpu.memory_space<vmem>>[vector<16xi32>], vector<16xf32>, vector<16xi1>
            %mul3A_545 = arith.mulf %mul3A_516, %select_n3A_279 : vector<16xf32>
            %scatter3A_546 = arith.constant 49152 : i32
            %scatter3A_547 = tpu.memref_slice %arg14[%scatter3A_546] : memref<65536xf32, #tpu.memory_space<vmem>> -> memref<16384xf32, #tpu.memory_space<vmem>>
            tpu.vector_store_idx %scatter3A_547[%add3A_344], %mul3A_545 masked %and3A_520 {add = true} : memref<16384xf32, #tpu.memory_space<vmem>>[vector<16xi32>], vector<16xf32>, vector<16xi1>
            %mul3A_548 = arith.mulf %mul3A_516, %select_n3A_295 : vector<16xf32>
            %scatter3A_549 = arith.constant 49152 : i32
            %scatter3A_550 = tpu.memref_slice %arg14[%scatter3A_549] : memref<65536xf32, #tpu.memory_space<vmem>> -> memref<16384xf32, #tpu.memory_space<vmem>>
            tpu.vector_store_idx %scatter3A_550[%add3A_347], %mul3A_548 masked %and3A_520 {add = true} : memref<16384xf32, #tpu.memory_space<vmem>>[vector<16xi32>], vector<16xf32>, vector<16xi1>
            %mul3A_551 = arith.mulf %mul3A_516, %select_n3A_311 : vector<16xf32>
            %scatter3A_552 = arith.constant 49152 : i32
            %scatter3A_553 = tpu.memref_slice %arg14[%scatter3A_552] : memref<65536xf32, #tpu.memory_space<vmem>> -> memref<16384xf32, #tpu.memory_space<vmem>>
            tpu.vector_store_idx %scatter3A_553[%add3A_350], %mul3A_551 masked %and3A_520 {add = true} : memref<16384xf32, #tpu.memory_space<vmem>>[vector<16xi32>], vector<16xf32>, vector<16xi1>
            %add3A_554 = arith.constant 1 : i32
            %add3A_555 = arith.addi %add3A_51, %add3A_554 : i32
            %broadcast_in_dim3A_556 = vector.broadcast %add3A_555 : i32 to vector<16xi32>
            %gather3A_557 = tpu.vector_load_idx %arg13[%broadcast_in_dim3A_556] : memref<10032xi32, #tpu.memory_space<vmem>>[vector<16xi32>], vector<16xi32>,
            %gather3A_558 = tpu.vector_load_idx %arg8[%gather3A_557] : memref<10016xf32, #tpu.memory_space<vmem>>[vector<16xi32>], vector<16xf32>,
            %gather3A_559 = tpu.vector_load_idx %arg9[%gather3A_557] : memref<10016xf32, #tpu.memory_space<vmem>>[vector<16xi32>], vector<16xf32>,
            %gather3A_560 = tpu.vector_load_idx %arg10[%gather3A_557] : memref<10016xf32, #tpu.memory_space<vmem>>[vector<16xi32>], vector<16xf32>,
            %gather3A_561 = tpu.vector_load_idx %arg11[%gather3A_557] : memref<10016xf32, #tpu.memory_space<vmem>>[vector<16xi32>], vector<16xf32>,
            %gather3A_562 = tpu.vector_load_idx %arg12[%gather3A_557] : memref<10016xf32, #tpu.memory_space<vmem>>[vector<16xi32>], vector<16xf32>,
            %mul3A_563 = arith.constant 3.000000e+00 : f32
            %mul3A_564 = vector.broadcast %mul3A_563 : f32 to vector<16xf32>
            %mul3A_565 = arith.mulf %mul3A_564, %gather3A_561 : vector<16xf32>
            %mul3A_566 = arith.constant 1.270000e+02 : f32
            %mul3A_567 = vector.broadcast %mul3A_566 : f32 to vector<16xf32>
            %mul3A_568 = arith.mulf %mul3A_565, %mul3A_567 : vector<16xf32>
            %mul3A_569 = arith.mulf %gather3A_561, %gather3A_561 : vector<16xf32>
            %div3A_570 = arith.constant 5.000000e-01 : f32
            %div3A_571 = vector.broadcast %div3A_570 : f32 to vector<16xf32>
            %div3A_572 = arith.divf %div3A_571, %mul3A_569 : vector<16xf32>
            %neg3A_573 = arith.constant 0.000000e+00 : f32
            %neg3A_574 = vector.broadcast %neg3A_573 : f32 to vector<16xf32>
            %neg3A_575 = arith.subf %neg3A_574, %div3A_572 : vector<16xf32>
            %mul3A_576 = arith.constant 1.270000e+02 : f32
            %mul3A_577 = vector.broadcast %mul3A_576 : f32 to vector<16xf32>
            %mul3A_578 = arith.mulf %gather3A_558, %mul3A_577 : vector<16xf32>
            %mul3A_579 = arith.constant 1.270000e+02 : f32
            %mul3A_580 = vector.broadcast %mul3A_579 : f32 to vector<16xf32>
            %mul3A_581 = arith.mulf %gather3A_559, %mul3A_580 : vector<16xf32>
            %mul3A_582 = arith.constant 1.270000e+02 : f32
            %mul3A_583 = vector.broadcast %mul3A_582 : f32 to vector<16xf32>
            %mul3A_584 = arith.mulf %gather3A_560, %mul3A_583 : vector<16xf32>
            %sub3A_585 = arith.subf %mul3A_578, %mul3A_568 : vector<16xf32>
            %max3A_586 = arith.constant 0.000000e+00 : f32
            %max3A_587 = vector.broadcast %max3A_586 : f32 to vector<16xf32>
            %max3A_588 = arith.maximumf %sub3A_585, %max3A_587 : vector<16xf32>
            %convert_element_type3A_589 = arith.fptosi %max3A_588 : vector<16xf32> to vector<16xi32>
            %convert_element_type3A_590 = arith.sitofp %convert_element_type3A_589 : vector<16xi32> to vector<16xf32>
            %add3A_591 = arith.addf %mul3A_578, %mul3A_568 : vector<16xf32>
            %min3A_592 = arith.constant 1.270000e+02 : f32
            %min3A_593 = vector.broadcast %min3A_592 : f32 to vector<16xf32>
            %min3A_594 = arith.minimumf %add3A_591, %min3A_593 : vector<16xf32>
            %convert_element_type3A_595 = arith.fptosi %min3A_594 : vector<16xf32> to vector<16xi32>
            %convert_element_type3A_596 = arith.sitofp %convert_element_type3A_595 : vector<16xi32> to vector<16xf32>
            %sub3A_597 = arith.subf %mul3A_581, %mul3A_568 : vector<16xf32>
            %max3A_598 = arith.constant 0.000000e+00 : f32
            %max3A_599 = vector.broadcast %max3A_598 : f32 to vector<16xf32>
            %max3A_600 = arith.maximumf %sub3A_597, %max3A_599 : vector<16xf32>
            %convert_element_type3A_601 = arith.fptosi %max3A_600 : vector<16xf32> to vector<16xi32>
            %convert_element_type3A_602 = arith.sitofp %convert_element_type3A_601 : vector<16xi32> to vector<16xf32>
            %add3A_603 = arith.addf %mul3A_581, %mul3A_568 : vector<16xf32>
            %min3A_604 = arith.constant 1.270000e+02 : f32
            %min3A_605 = vector.broadcast %min3A_604 : f32 to vector<16xf32>
            %min3A_606 = arith.minimumf %add3A_603, %min3A_605 : vector<16xf32>
            %convert_element_type3A_607 = arith.fptosi %min3A_606 : vector<16xf32> to vector<16xi32>
            %convert_element_type3A_608 = arith.sitofp %convert_element_type3A_607 : vector<16xi32> to vector<16xf32>
            %sub3A_609 = arith.subf %mul3A_584, %mul3A_568 : vector<16xf32>
            %max3A_610 = arith.constant 0.000000e+00 : f32
            %max3A_611 = vector.broadcast %max3A_610 : f32 to vector<16xf32>
            %max3A_612 = arith.maximumf %sub3A_609, %max3A_611 : vector<16xf32>
            %convert_element_type3A_613 = arith.fptosi %max3A_612 : vector<16xf32> to vector<16xi32>
            %convert_element_type3A_614 = arith.sitofp %convert_element_type3A_613 : vector<16xi32> to vector<16xf32>
            %add3A_615 = arith.addf %mul3A_584, %mul3A_568 : vector<16xf32>
            %min3A_616 = arith.constant 1.270000e+02 : f32
            %min3A_617 = vector.broadcast %min3A_616 : f32 to vector<16xf32>
            %min3A_618 = arith.minimumf %add3A_615, %min3A_617 : vector<16xf32>
            %convert_element_type3A_619 = arith.fptosi %min3A_618 : vector<16xf32> to vector<16xi32>
            %convert_element_type3A_620 = arith.sitofp %convert_element_type3A_619 : vector<16xi32> to vector<16xf32>
            %min3A_621 = arith.constant 1.170000e+02 : f32
            %min3A_622 = vector.broadcast %min3A_621 : f32 to vector<16xf32>
            %min3A_623 = arith.minimumf %convert_element_type3A_602, %min3A_622 : vector<16xf32>
            %min3A_624 = arith.constant 1.170000e+02 : f32
            %min3A_625 = vector.broadcast %min3A_624 : f32 to vector<16xf32>
            %min3A_626 = arith.minimumf %convert_element_type3A_614, %min3A_625 : vector<16xf32>
            %add3A_627 = arith.addf %min3A_626, %convert_element_type3A : vector<16xf32>
            %mul3A_628 = arith.constant 0.00787401571 : f32
            %mul3A_629 = vector.broadcast %mul3A_628 : f32 to vector<16xf32>
            %mul3A_630 = arith.mulf %add3A_627, %mul3A_629 : vector<16xf32>
            %sub3A_631 = arith.subf %mul3A_630, %gather3A_560 : vector<16xf32>
            %mul3A_632 = arith.mulf %sub3A_631, %sub3A_631 : vector<16xf32>
            %neg3A_633 = arith.constant 0.000000e+00 : f32
            %neg3A_634 = vector.broadcast %neg3A_633 : f32 to vector<16xf32>
            %neg3A_635 = arith.subf %neg3A_634, %mul3A_632 : vector<16xf32>
            %mul3A_636 = arith.mulf %neg3A_635, %div3A_572 : vector<16xf32>
            %exp3A_637 = math.exp %mul3A_636 : vector<16xf32>
            %mul3A_638 = arith.mulf %exp3A_637, %gather3A_562 : vector<16xf32>
            %ge3A_639 = arith.cmpf oge, %add3A_627, %convert_element_type3A_614 : vector<16xf32>
            %le3A_640 = arith.cmpf ole, %add3A_627, %convert_element_type3A_620 : vector<16xf32>
            %and3A_641 = arith.andi %ge3A_639, %le3A_640 : vector<16xi1>
            %mul3A_642 = arith.constant 0.00787401571 : f32
            %mul3A_643 = vector.broadcast %mul3A_642 : f32 to vector<16xf32>
            %mul3A_644 = arith.mulf %min3A_623, %mul3A_643 : vector<16xf32>
            %sub3A_645 = arith.subf %mul3A_644, %gather3A_559 : vector<16xf32>
            %sub3A_646 = arith.subf %convert_element_type3A_602, %min3A_623 : vector<16xf32>
            %sub3A_647 = arith.subf %convert_element_type3A_608, %min3A_623 : vector<16xf32>
            %add3A_648 = arith.constant 0.000000e+00 : f32
            %add3A_649 = vector.broadcast %add3A_648 : f32 to vector<16xf32>
            %add3A_650 = arith.addf %sub3A_645, %add3A_649 : vector<16xf32>
            %mul3A_651 = arith.mulf %add3A_650, %add3A_650 : vector<16xf32>
            %mul3A_652 = arith.mulf %mul3A_651, %neg3A_575 : vector<16xf32>
            %exp3A_653 = math.exp %mul3A_652 : vector<16xf32>
            %le3A_654 = arith.constant 0.000000e+00 : f32
            %le3A_655 = vector.broadcast %le3A_654 : f32 to vector<16xf32>
            %le3A_656 = arith.cmpf ole, %sub3A_646, %le3A_655 : vector<16xf32>
            %ge3A_657 = arith.constant 0.000000e+00 : f32
            %ge3A_658 = vector.broadcast %ge3A_657 : f32 to vector<16xf32>
            %ge3A_659 = arith.cmpf oge, %sub3A_647, %ge3A_658 : vector<16xf32>
            %and3A_660 = arith.andi %le3A_656, %ge3A_659 : vector<16xi1>
            %jit3A_661 = arith.constant 0.000000e+00 : f32
            %broadcast_in_dim3A_662 = vector.broadcast %jit3A_661 : f32 to vector<16xf32>
            %select_n3A_663 = arith.select %and3A_660, %exp3A_653, %broadcast_in_dim3A_662 : vector<16xi1>, vector<16xf32>
            %add3A_664 = arith.constant 0.00787401571 : f32
            %add3A_665 = vector.broadcast %add3A_664 : f32 to vector<16xf32>
            %add3A_666 = arith.addf %sub3A_645, %add3A_665 : vector<16xf32>
            %mul3A_667 = arith.mulf %add3A_666, %add3A_666 : vector<16xf32>
            %mul3A_668 = arith.mulf %mul3A_667, %neg3A_575 : vector<16xf32>
            %exp3A_669 = math.exp %mul3A_668 : vector<16xf32>
            %le3A_670 = arith.constant 1.000000e+00 : f32
            %le3A_671 = vector.broadcast %le3A_670 : f32 to vector<16xf32>
            %le3A_672 = arith.cmpf ole, %sub3A_646, %le3A_671 : vector<16xf32>
            %ge3A_673 = arith.constant 1.000000e+00 : f32
            %ge3A_674 = vector.broadcast %ge3A_673 : f32 to vector<16xf32>
            %ge3A_675 = arith.cmpf oge, %sub3A_647, %ge3A_674 : vector<16xf32>
            %and3A_676 = arith.andi %le3A_672, %ge3A_675 : vector<16xi1>
            %jit3A_677 = arith.constant 0.000000e+00 : f32
            %broadcast_in_dim3A_678 = vector.broadcast %jit3A_677 : f32 to vector<16xf32>
            %select_n3A_679 = arith.select %and3A_676, %exp3A_669, %broadcast_in_dim3A_678 : vector<16xi1>, vector<16xf32>
            %add3A_680 = arith.constant 0.0157480314 : f32
            %add3A_681 = vector.broadcast %add3A_680 : f32 to vector<16xf32>
            %add3A_682 = arith.addf %sub3A_645, %add3A_681 : vector<16xf32>
            %mul3A_683 = arith.mulf %add3A_682, %add3A_682 : vector<16xf32>
            %mul3A_684 = arith.mulf %mul3A_683, %neg3A_575 : vector<16xf32>
            %exp3A_685 = math.exp %mul3A_684 : vector<16xf32>
            %le3A_686 = arith.constant 2.000000e+00 : f32
            %le3A_687 = vector.broadcast %le3A_686 : f32 to vector<16xf32>
            %le3A_688 = arith.cmpf ole, %sub3A_646, %le3A_687 : vector<16xf32>
            %ge3A_689 = arith.constant 2.000000e+00 : f32
            %ge3A_690 = vector.broadcast %ge3A_689 : f32 to vector<16xf32>
            %ge3A_691 = arith.cmpf oge, %sub3A_647, %ge3A_690 : vector<16xf32>
            %and3A_692 = arith.andi %le3A_688, %ge3A_691 : vector<16xi1>
            %jit3A_693 = arith.constant 0.000000e+00 : f32
            %broadcast_in_dim3A_694 = vector.broadcast %jit3A_693 : f32 to vector<16xf32>
            %select_n3A_695 = arith.select %and3A_692, %exp3A_685, %broadcast_in_dim3A_694 : vector<16xi1>, vector<16xf32>
            %add3A_696 = arith.constant 0.0236220472 : f32
            %add3A_697 = vector.broadcast %add3A_696 : f32 to vector<16xf32>
            %add3A_698 = arith.addf %sub3A_645, %add3A_697 : vector<16xf32>
            %mul3A_699 = arith.mulf %add3A_698, %add3A_698 : vector<16xf32>
            %mul3A_700 = arith.mulf %mul3A_699, %neg3A_575 : vector<16xf32>
            %exp3A_701 = math.exp %mul3A_700 : vector<16xf32>
            %le3A_702 = arith.constant 3.000000e+00 : f32
            %le3A_703 = vector.broadcast %le3A_702 : f32 to vector<16xf32>
            %le3A_704 = arith.cmpf ole, %sub3A_646, %le3A_703 : vector<16xf32>
            %ge3A_705 = arith.constant 3.000000e+00 : f32
            %ge3A_706 = vector.broadcast %ge3A_705 : f32 to vector<16xf32>
            %ge3A_707 = arith.cmpf oge, %sub3A_647, %ge3A_706 : vector<16xf32>
            %and3A_708 = arith.andi %le3A_704, %ge3A_707 : vector<16xi1>
            %jit3A_709 = arith.constant 0.000000e+00 : f32
            %broadcast_in_dim3A_710 = vector.broadcast %jit3A_709 : f32 to vector<16xf32>
            %select_n3A_711 = arith.select %and3A_708, %exp3A_701, %broadcast_in_dim3A_710 : vector<16xi1>, vector<16xf32>
            %add3A_712 = arith.constant 0.0314960629 : f32
            %add3A_713 = vector.broadcast %add3A_712 : f32 to vector<16xf32>
            %add3A_714 = arith.addf %sub3A_645, %add3A_713 : vector<16xf32>
            %mul3A_715 = arith.mulf %add3A_714, %add3A_714 : vector<16xf32>
            %mul3A_716 = arith.mulf %mul3A_715, %neg3A_575 : vector<16xf32>
            %exp3A_717 = math.exp %mul3A_716 : vector<16xf32>
            %le3A_718 = arith.constant 4.000000e+00 : f32
            %le3A_719 = vector.broadcast %le3A_718 : f32 to vector<16xf32>
            %le3A_720 = arith.cmpf ole, %sub3A_646, %le3A_719 : vector<16xf32>
            %ge3A_721 = arith.constant 4.000000e+00 : f32
            %ge3A_722 = vector.broadcast %ge3A_721 : f32 to vector<16xf32>
            %ge3A_723 = arith.cmpf oge, %sub3A_647, %ge3A_722 : vector<16xf32>
            %and3A_724 = arith.andi %le3A_720, %ge3A_723 : vector<16xi1>
            %jit3A_725 = arith.constant 0.000000e+00 : f32
            %broadcast_in_dim3A_726 = vector.broadcast %jit3A_725 : f32 to vector<16xf32>
            %select_n3A_727 = arith.select %and3A_724, %exp3A_717, %broadcast_in_dim3A_726 : vector<16xi1>, vector<16xf32>
            %add3A_728 = arith.constant 0.0393700786 : f32
            %add3A_729 = vector.broadcast %add3A_728 : f32 to vector<16xf32>
            %add3A_730 = arith.addf %sub3A_645, %add3A_729 : vector<16xf32>
            %mul3A_731 = arith.mulf %add3A_730, %add3A_730 : vector<16xf32>
            %mul3A_732 = arith.mulf %mul3A_731, %neg3A_575 : vector<16xf32>
            %exp3A_733 = math.exp %mul3A_732 : vector<16xf32>
            %le3A_734 = arith.constant 5.000000e+00 : f32
            %le3A_735 = vector.broadcast %le3A_734 : f32 to vector<16xf32>
            %le3A_736 = arith.cmpf ole, %sub3A_646, %le3A_735 : vector<16xf32>
            %ge3A_737 = arith.constant 5.000000e+00 : f32
            %ge3A_738 = vector.broadcast %ge3A_737 : f32 to vector<16xf32>
            %ge3A_739 = arith.cmpf oge, %sub3A_647, %ge3A_738 : vector<16xf32>
            %and3A_740 = arith.andi %le3A_736, %ge3A_739 : vector<16xi1>
            %jit3A_741 = arith.constant 0.000000e+00 : f32
            %broadcast_in_dim3A_742 = vector.broadcast %jit3A_741 : f32 to vector<16xf32>
            %select_n3A_743 = arith.select %and3A_740, %exp3A_733, %broadcast_in_dim3A_742 : vector<16xi1>, vector<16xf32>
            %add3A_744 = arith.constant 0.0472440943 : f32
            %add3A_745 = vector.broadcast %add3A_744 : f32 to vector<16xf32>
            %add3A_746 = arith.addf %sub3A_645, %add3A_745 : vector<16xf32>
            %mul3A_747 = arith.mulf %add3A_746, %add3A_746 : vector<16xf32>
            %mul3A_748 = arith.mulf %mul3A_747, %neg3A_575 : vector<16xf32>
            %exp3A_749 = math.exp %mul3A_748 : vector<16xf32>
            %le3A_750 = arith.constant 6.000000e+00 : f32
            %le3A_751 = vector.broadcast %le3A_750 : f32 to vector<16xf32>
            %le3A_752 = arith.cmpf ole, %sub3A_646, %le3A_751 : vector<16xf32>
            %ge3A_753 = arith.constant 6.000000e+00 : f32
            %ge3A_754 = vector.broadcast %ge3A_753 : f32 to vector<16xf32>
            %ge3A_755 = arith.cmpf oge, %sub3A_647, %ge3A_754 : vector<16xf32>
            %and3A_756 = arith.andi %le3A_752, %ge3A_755 : vector<16xi1>
            %jit3A_757 = arith.constant 0.000000e+00 : f32
            %broadcast_in_dim3A_758 = vector.broadcast %jit3A_757 : f32 to vector<16xf32>
            %select_n3A_759 = arith.select %and3A_756, %exp3A_749, %broadcast_in_dim3A_758 : vector<16xi1>, vector<16xf32>
            %add3A_760 = arith.constant 0.05511811 : f32
            %add3A_761 = vector.broadcast %add3A_760 : f32 to vector<16xf32>
            %add3A_762 = arith.addf %sub3A_645, %add3A_761 : vector<16xf32>
            %mul3A_763 = arith.mulf %add3A_762, %add3A_762 : vector<16xf32>
            %mul3A_764 = arith.mulf %mul3A_763, %neg3A_575 : vector<16xf32>
            %exp3A_765 = math.exp %mul3A_764 : vector<16xf32>
            %le3A_766 = arith.constant 7.000000e+00 : f32
            %le3A_767 = vector.broadcast %le3A_766 : f32 to vector<16xf32>
            %le3A_768 = arith.cmpf ole, %sub3A_646, %le3A_767 : vector<16xf32>
            %ge3A_769 = arith.constant 7.000000e+00 : f32
            %ge3A_770 = vector.broadcast %ge3A_769 : f32 to vector<16xf32>
            %ge3A_771 = arith.cmpf oge, %sub3A_647, %ge3A_770 : vector<16xf32>
            %and3A_772 = arith.andi %le3A_768, %ge3A_771 : vector<16xi1>
            %jit3A_773 = arith.constant 0.000000e+00 : f32
            %broadcast_in_dim3A_774 = vector.broadcast %jit3A_773 : f32 to vector<16xf32>
            %select_n3A_775 = arith.select %and3A_772, %exp3A_765, %broadcast_in_dim3A_774 : vector<16xi1>, vector<16xf32>
            %add3A_776 = arith.constant 0.0629921257 : f32
            %add3A_777 = vector.broadcast %add3A_776 : f32 to vector<16xf32>
            %add3A_778 = arith.addf %sub3A_645, %add3A_777 : vector<16xf32>
            %mul3A_779 = arith.mulf %add3A_778, %add3A_778 : vector<16xf32>
            %mul3A_780 = arith.mulf %mul3A_779, %neg3A_575 : vector<16xf32>
            %exp3A_781 = math.exp %mul3A_780 : vector<16xf32>
            %le3A_782 = arith.constant 8.000000e+00 : f32
            %le3A_783 = vector.broadcast %le3A_782 : f32 to vector<16xf32>
            %le3A_784 = arith.cmpf ole, %sub3A_646, %le3A_783 : vector<16xf32>
            %ge3A_785 = arith.constant 8.000000e+00 : f32
            %ge3A_786 = vector.broadcast %ge3A_785 : f32 to vector<16xf32>
            %ge3A_787 = arith.cmpf oge, %sub3A_647, %ge3A_786 : vector<16xf32>
            %and3A_788 = arith.andi %le3A_784, %ge3A_787 : vector<16xi1>
            %jit3A_789 = arith.constant 0.000000e+00 : f32
            %broadcast_in_dim3A_790 = vector.broadcast %jit3A_789 : f32 to vector<16xf32>
            %select_n3A_791 = arith.select %and3A_788, %exp3A_781, %broadcast_in_dim3A_790 : vector<16xi1>, vector<16xf32>
            %add3A_792 = arith.constant 0.0708661452 : f32
            %add3A_793 = vector.broadcast %add3A_792 : f32 to vector<16xf32>
            %add3A_794 = arith.addf %sub3A_645, %add3A_793 : vector<16xf32>
            %mul3A_795 = arith.mulf %add3A_794, %add3A_794 : vector<16xf32>
            %mul3A_796 = arith.mulf %mul3A_795, %neg3A_575 : vector<16xf32>
            %exp3A_797 = math.exp %mul3A_796 : vector<16xf32>
            %le3A_798 = arith.constant 9.000000e+00 : f32
            %le3A_799 = vector.broadcast %le3A_798 : f32 to vector<16xf32>
            %le3A_800 = arith.cmpf ole, %sub3A_646, %le3A_799 : vector<16xf32>
            %ge3A_801 = arith.constant 9.000000e+00 : f32
            %ge3A_802 = vector.broadcast %ge3A_801 : f32 to vector<16xf32>
            %ge3A_803 = arith.cmpf oge, %sub3A_647, %ge3A_802 : vector<16xf32>
            %and3A_804 = arith.andi %le3A_800, %ge3A_803 : vector<16xi1>
            %jit3A_805 = arith.constant 0.000000e+00 : f32
            %broadcast_in_dim3A_806 = vector.broadcast %jit3A_805 : f32 to vector<16xf32>
            %select_n3A_807 = arith.select %and3A_804, %exp3A_797, %broadcast_in_dim3A_806 : vector<16xi1>, vector<16xf32>
            %add3A_808 = arith.constant 0.0787401571 : f32
            %add3A_809 = vector.broadcast %add3A_808 : f32 to vector<16xf32>
            %add3A_810 = arith.addf %sub3A_645, %add3A_809 : vector<16xf32>
            %mul3A_811 = arith.mulf %add3A_810, %add3A_810 : vector<16xf32>
            %mul3A_812 = arith.mulf %mul3A_811, %neg3A_575 : vector<16xf32>
            %exp3A_813 = math.exp %mul3A_812 : vector<16xf32>
            %le3A_814 = arith.constant 1.000000e+01 : f32
            %le3A_815 = vector.broadcast %le3A_814 : f32 to vector<16xf32>
            %le3A_816 = arith.cmpf ole, %sub3A_646, %le3A_815 : vector<16xf32>
            %ge3A_817 = arith.constant 1.000000e+01 : f32
            %ge3A_818 = vector.broadcast %ge3A_817 : f32 to vector<16xf32>
            %ge3A_819 = arith.cmpf oge, %sub3A_647, %ge3A_818 : vector<16xf32>
            %and3A_820 = arith.andi %le3A_816, %ge3A_819 : vector<16xi1>
            %jit3A_821 = arith.constant 0.000000e+00 : f32
            %broadcast_in_dim3A_822 = vector.broadcast %jit3A_821 : f32 to vector<16xf32>
            %select_n3A_823 = arith.select %and3A_820, %exp3A_813, %broadcast_in_dim3A_822 : vector<16xi1>, vector<16xf32>
            %mul3A_824 = arith.constant 1.280000e+02 : f32
            %mul3A_825 = vector.broadcast %mul3A_824 : f32 to vector<16xf32>
            %mul3A_826 = arith.mulf %min3A_623, %mul3A_825 : vector<16xf32>
            %add3A_827 = arith.addf %mul3A_826, %min3A_626 : vector<16xf32>
            %convert_element_type3A_828 = arith.fptosi %add3A_827 : vector<16xf32> to vector<16xi32>
            %add3A_829 = arith.addi %convert_element_type3A_828, %iota3A : vector<16xi32>
            %add3A_830 = arith.constant 0 : i32
            %add3A_831 = vector.broadcast %add3A_830 : i32 to vector<16xi32>
            %add3A_832 = arith.addi %add3A_829, %add3A_831 : vector<16xi32>
            %add3A_833 = arith.constant 128 : i32
            %add3A_834 = vector.broadcast %add3A_833 : i32 to vector<16xi32>
            %add3A_835 = arith.addi %add3A_829, %add3A_834 : vector<16xi32>
            %add3A_836 = arith.constant 256 : i32
            %add3A_837 = vector.broadcast %add3A_836 : i32 to vector<16xi32>
            %add3A_838 = arith.addi %add3A_829, %add3A_837 : vector<16xi32>
            %add3A_839 = arith.constant 384 : i32
            %add3A_840 = vector.broadcast %add3A_839 : i32 to vector<16xi32>
            %add3A_841 = arith.addi %add3A_829, %add3A_840 : vector<16xi32>
            %add3A_842 = arith.constant 512 : i32
            %add3A_843 = vector.broadcast %add3A_842 : i32 to vector<16xi32>
            %add3A_844 = arith.addi %add3A_829, %add3A_843 : vector<16xi32>
            %add3A_845 = arith.constant 640 : i32
            %add3A_846 = vector.broadcast %add3A_845 : i32 to vector<16xi32>
            %add3A_847 = arith.addi %add3A_829, %add3A_846 : vector<16xi32>
            %add3A_848 = arith.constant 768 : i32
            %add3A_849 = vector.broadcast %add3A_848 : i32 to vector<16xi32>
            %add3A_850 = arith.addi %add3A_829, %add3A_849 : vector<16xi32>
            %add3A_851 = arith.constant 896 : i32
            %add3A_852 = vector.broadcast %add3A_851 : i32 to vector<16xi32>
            %add3A_853 = arith.addi %add3A_829, %add3A_852 : vector<16xi32>
            %add3A_854 = arith.constant 1024 : i32
            %add3A_855 = vector.broadcast %add3A_854 : i32 to vector<16xi32>
            %add3A_856 = arith.addi %add3A_829, %add3A_855 : vector<16xi32>
            %add3A_857 = arith.constant 1152 : i32
            %add3A_858 = vector.broadcast %add3A_857 : i32 to vector<16xi32>
            %add3A_859 = arith.addi %add3A_829, %add3A_858 : vector<16xi32>
            %add3A_860 = arith.constant 1280 : i32
            %add3A_861 = vector.broadcast %add3A_860 : i32 to vector<16xi32>
            %add3A_862 = arith.addi %add3A_829, %add3A_861 : vector<16xi32>
            %add3A_863 = arith.constant 0.000000e+00 : f32
            %add3A_864 = vector.broadcast %add3A_863 : f32 to vector<16xf32>
            %add3A_865 = arith.addf %convert_element_type3A_10, %add3A_864 : vector<16xf32>
            %mul3A_866 = arith.constant 0.00787401571 : f32
            %mul3A_867 = vector.broadcast %mul3A_866 : f32 to vector<16xf32>
            %mul3A_868 = arith.mulf %add3A_865, %mul3A_867 : vector<16xf32>
            %sub3A_869 = arith.subf %mul3A_868, %gather3A_558 : vector<16xf32>
            %mul3A_870 = arith.mulf %sub3A_869, %sub3A_869 : vector<16xf32>
            %neg3A_871 = arith.constant 0.000000e+00 : f32
            %neg3A_872 = vector.broadcast %neg3A_871 : f32 to vector<16xf32>
            %neg3A_873 = arith.subf %neg3A_872, %mul3A_870 : vector<16xf32>
            %mul3A_874 = arith.mulf %neg3A_873, %div3A_572 : vector<16xf32>
            %exp3A_875 = math.exp %mul3A_874 : vector<16xf32>
            %mul3A_876 = arith.mulf %exp3A_875, %mul3A_638 : vector<16xf32>
            %ge3A_877 = arith.cmpf oge, %add3A_865, %convert_element_type3A_590 : vector<16xf32>
            %le3A_878 = arith.cmpf ole, %add3A_865, %convert_element_type3A_596 : vector<16xf32>
            %and3A_879 = arith.andi %ge3A_877, %le3A_878 : vector<16xi1>
            %and3A_880 = arith.andi %and3A_641, %and3A_879 : vector<16xi1>
            %mul3A_881 = arith.mulf %mul3A_876, %select_n3A_663 : vector<16xf32>
            %scatter3A_882 = arith.constant 0 : i32
            %scatter3A_883 = tpu.memref_slice %arg14[%scatter3A_882] : memref<65536xf32, #tpu.memory_space<vmem>> -> memref<16384xf32, #tpu.memory_space<vmem>>
            tpu.vector_store_idx %scatter3A_883[%add3A_832], %mul3A_881 masked %and3A_880 {add = true} : memref<16384xf32, #tpu.memory_space<vmem>>[vector<16xi32>], vector<16xf32>, vector<16xi1>
            %mul3A_884 = arith.mulf %mul3A_876, %select_n3A_679 : vector<16xf32>
            %scatter3A_885 = arith.constant 0 : i32
            %scatter3A_886 = tpu.memref_slice %arg14[%scatter3A_885] : memref<65536xf32, #tpu.memory_space<vmem>> -> memref<16384xf32, #tpu.memory_space<vmem>>
            tpu.vector_store_idx %scatter3A_886[%add3A_835], %mul3A_884 masked %and3A_880 {add = true} : memref<16384xf32, #tpu.memory_space<vmem>>[vector<16xi32>], vector<16xf32>, vector<16xi1>
            %mul3A_887 = arith.mulf %mul3A_876, %select_n3A_695 : vector<16xf32>
            %scatter3A_888 = arith.constant 0 : i32
            %scatter3A_889 = tpu.memref_slice %arg14[%scatter3A_888] : memref<65536xf32, #tpu.memory_space<vmem>> -> memref<16384xf32, #tpu.memory_space<vmem>>
            tpu.vector_store_idx %scatter3A_889[%add3A_838], %mul3A_887 masked %and3A_880 {add = true} : memref<16384xf32, #tpu.memory_space<vmem>>[vector<16xi32>], vector<16xf32>, vector<16xi1>
            %mul3A_890 = arith.mulf %mul3A_876, %select_n3A_711 : vector<16xf32>
            %scatter3A_891 = arith.constant 0 : i32
            %scatter3A_892 = tpu.memref_slice %arg14[%scatter3A_891] : memref<65536xf32, #tpu.memory_space<vmem>> -> memref<16384xf32, #tpu.memory_space<vmem>>
            tpu.vector_store_idx %scatter3A_892[%add3A_841], %mul3A_890 masked %and3A_880 {add = true} : memref<16384xf32, #tpu.memory_space<vmem>>[vector<16xi32>], vector<16xf32>, vector<16xi1>
            %mul3A_893 = arith.mulf %mul3A_876, %select_n3A_727 : vector<16xf32>
            %scatter3A_894 = arith.constant 0 : i32
            %scatter3A_895 = tpu.memref_slice %arg14[%scatter3A_894] : memref<65536xf32, #tpu.memory_space<vmem>> -> memref<16384xf32, #tpu.memory_space<vmem>>
            tpu.vector_store_idx %scatter3A_895[%add3A_844], %mul3A_893 masked %and3A_880 {add = true} : memref<16384xf32, #tpu.memory_space<vmem>>[vector<16xi32>], vector<16xf32>, vector<16xi1>
            %mul3A_896 = arith.mulf %mul3A_876, %select_n3A_743 : vector<16xf32>
            %scatter3A_897 = arith.constant 0 : i32
            %scatter3A_898 = tpu.memref_slice %arg14[%scatter3A_897] : memref<65536xf32, #tpu.memory_space<vmem>> -> memref<16384xf32, #tpu.memory_space<vmem>>
            tpu.vector_store_idx %scatter3A_898[%add3A_847], %mul3A_896 masked %and3A_880 {add = true} : memref<16384xf32, #tpu.memory_space<vmem>>[vector<16xi32>], vector<16xf32>, vector<16xi1>
            %mul3A_899 = arith.mulf %mul3A_876, %select_n3A_759 : vector<16xf32>
            %scatter3A_900 = arith.constant 0 : i32
            %scatter3A_901 = tpu.memref_slice %arg14[%scatter3A_900] : memref<65536xf32, #tpu.memory_space<vmem>> -> memref<16384xf32, #tpu.memory_space<vmem>>
            tpu.vector_store_idx %scatter3A_901[%add3A_850], %mul3A_899 masked %and3A_880 {add = true} : memref<16384xf32, #tpu.memory_space<vmem>>[vector<16xi32>], vector<16xf32>, vector<16xi1>
            %mul3A_902 = arith.mulf %mul3A_876, %select_n3A_775 : vector<16xf32>
            %scatter3A_903 = arith.constant 0 : i32
            %scatter3A_904 = tpu.memref_slice %arg14[%scatter3A_903] : memref<65536xf32, #tpu.memory_space<vmem>> -> memref<16384xf32, #tpu.memory_space<vmem>>
            tpu.vector_store_idx %scatter3A_904[%add3A_853], %mul3A_902 masked %and3A_880 {add = true} : memref<16384xf32, #tpu.memory_space<vmem>>[vector<16xi32>], vector<16xf32>, vector<16xi1>
            %mul3A_905 = arith.mulf %mul3A_876, %select_n3A_791 : vector<16xf32>
            %scatter3A_906 = arith.constant 0 : i32
            %scatter3A_907 = tpu.memref_slice %arg14[%scatter3A_906] : memref<65536xf32, #tpu.memory_space<vmem>> -> memref<16384xf32, #tpu.memory_space<vmem>>
            tpu.vector_store_idx %scatter3A_907[%add3A_856], %mul3A_905 masked %and3A_880 {add = true} : memref<16384xf32, #tpu.memory_space<vmem>>[vector<16xi32>], vector<16xf32>, vector<16xi1>
            %mul3A_908 = arith.mulf %mul3A_876, %select_n3A_807 : vector<16xf32>
            %scatter3A_909 = arith.constant 0 : i32
            %scatter3A_910 = tpu.memref_slice %arg14[%scatter3A_909] : memref<65536xf32, #tpu.memory_space<vmem>> -> memref<16384xf32, #tpu.memory_space<vmem>>
            tpu.vector_store_idx %scatter3A_910[%add3A_859], %mul3A_908 masked %and3A_880 {add = true} : memref<16384xf32, #tpu.memory_space<vmem>>[vector<16xi32>], vector<16xf32>, vector<16xi1>
            %mul3A_911 = arith.mulf %mul3A_876, %select_n3A_823 : vector<16xf32>
            %scatter3A_912 = arith.constant 0 : i32
            %scatter3A_913 = tpu.memref_slice %arg14[%scatter3A_912] : memref<65536xf32, #tpu.memory_space<vmem>> -> memref<16384xf32, #tpu.memory_space<vmem>>
            tpu.vector_store_idx %scatter3A_913[%add3A_862], %mul3A_911 masked %and3A_880 {add = true} : memref<16384xf32, #tpu.memory_space<vmem>>[vector<16xi32>], vector<16xf32>, vector<16xi1>
            %add3A_914 = arith.constant 1.000000e+00 : f32
            %add3A_915 = vector.broadcast %add3A_914 : f32 to vector<16xf32>
            %add3A_916 = arith.addf %convert_element_type3A_10, %add3A_915 : vector<16xf32>
            %mul3A_917 = arith.constant 0.00787401571 : f32
            %mul3A_918 = vector.broadcast %mul3A_917 : f32 to vector<16xf32>
            %mul3A_919 = arith.mulf %add3A_916, %mul3A_918 : vector<16xf32>
            %sub3A_920 = arith.subf %mul3A_919, %gather3A_558 : vector<16xf32>
            %mul3A_921 = arith.mulf %sub3A_920, %sub3A_920 : vector<16xf32>
            %neg3A_922 = arith.constant 0.000000e+00 : f32
            %neg3A_923 = vector.broadcast %neg3A_922 : f32 to vector<16xf32>
            %neg3A_924 = arith.subf %neg3A_923, %mul3A_921 : vector<16xf32>
            %mul3A_925 = arith.mulf %neg3A_924, %div3A_572 : vector<16xf32>
            %exp3A_926 = math.exp %mul3A_925 : vector<16xf32>
            %mul3A_927 = arith.mulf %exp3A_926, %mul3A_638 : vector<16xf32>
            %ge3A_928 = arith.cmpf oge, %add3A_916, %convert_element_type3A_590 : vector<16xf32>
            %le3A_929 = arith.cmpf ole, %add3A_916, %convert_element_type3A_596 : vector<16xf32>
            %and3A_930 = arith.andi %ge3A_928, %le3A_929 : vector<16xi1>
            %and3A_931 = arith.andi %and3A_641, %and3A_930 : vector<16xi1>
            %mul3A_932 = arith.mulf %mul3A_927, %select_n3A_663 : vector<16xf32>
            %scatter3A_933 = arith.constant 16384 : i32
            %scatter3A_934 = tpu.memref_slice %arg14[%scatter3A_933] : memref<65536xf32, #tpu.memory_space<vmem>> -> memref<16384xf32, #tpu.memory_space<vmem>>
            tpu.vector_store_idx %scatter3A_934[%add3A_832], %mul3A_932 masked %and3A_931 {add = true} : memref<16384xf32, #tpu.memory_space<vmem>>[vector<16xi32>], vector<16xf32>, vector<16xi1>
            %mul3A_935 = arith.mulf %mul3A_927, %select_n3A_679 : vector<16xf32>
            %scatter3A_936 = arith.constant 16384 : i32
            %scatter3A_937 = tpu.memref_slice %arg14[%scatter3A_936] : memref<65536xf32, #tpu.memory_space<vmem>> -> memref<16384xf32, #tpu.memory_space<vmem>>
            tpu.vector_store_idx %scatter3A_937[%add3A_835], %mul3A_935 masked %and3A_931 {add = true} : memref<16384xf32, #tpu.memory_space<vmem>>[vector<16xi32>], vector<16xf32>, vector<16xi1>
            %mul3A_938 = arith.mulf %mul3A_927, %select_n3A_695 : vector<16xf32>
            %scatter3A_939 = arith.constant 16384 : i32
            %scatter3A_940 = tpu.memref_slice %arg14[%scatter3A_939] : memref<65536xf32, #tpu.memory_space<vmem>> -> memref<16384xf32, #tpu.memory_space<vmem>>
            tpu.vector_store_idx %scatter3A_940[%add3A_838], %mul3A_938 masked %and3A_931 {add = true} : memref<16384xf32, #tpu.memory_space<vmem>>[vector<16xi32>], vector<16xf32>, vector<16xi1>
            %mul3A_941 = arith.mulf %mul3A_927, %select_n3A_711 : vector<16xf32>
            %scatter3A_942 = arith.constant 16384 : i32
            %scatter3A_943 = tpu.memref_slice %arg14[%scatter3A_942] : memref<65536xf32, #tpu.memory_space<vmem>> -> memref<16384xf32, #tpu.memory_space<vmem>>
            tpu.vector_store_idx %scatter3A_943[%add3A_841], %mul3A_941 masked %and3A_931 {add = true} : memref<16384xf32, #tpu.memory_space<vmem>>[vector<16xi32>], vector<16xf32>, vector<16xi1>
            %mul3A_944 = arith.mulf %mul3A_927, %select_n3A_727 : vector<16xf32>
            %scatter3A_945 = arith.constant 16384 : i32
            %scatter3A_946 = tpu.memref_slice %arg14[%scatter3A_945] : memref<65536xf32, #tpu.memory_space<vmem>> -> memref<16384xf32, #tpu.memory_space<vmem>>
            tpu.vector_store_idx %scatter3A_946[%add3A_844], %mul3A_944 masked %and3A_931 {add = true} : memref<16384xf32, #tpu.memory_space<vmem>>[vector<16xi32>], vector<16xf32>, vector<16xi1>
            %mul3A_947 = arith.mulf %mul3A_927, %select_n3A_743 : vector<16xf32>
            %scatter3A_948 = arith.constant 16384 : i32
            %scatter3A_949 = tpu.memref_slice %arg14[%scatter3A_948] : memref<65536xf32, #tpu.memory_space<vmem>> -> memref<16384xf32, #tpu.memory_space<vmem>>
            tpu.vector_store_idx %scatter3A_949[%add3A_847], %mul3A_947 masked %and3A_931 {add = true} : memref<16384xf32, #tpu.memory_space<vmem>>[vector<16xi32>], vector<16xf32>, vector<16xi1>
            %mul3A_950 = arith.mulf %mul3A_927, %select_n3A_759 : vector<16xf32>
            %scatter3A_951 = arith.constant 16384 : i32
            %scatter3A_952 = tpu.memref_slice %arg14[%scatter3A_951] : memref<65536xf32, #tpu.memory_space<vmem>> -> memref<16384xf32, #tpu.memory_space<vmem>>
            tpu.vector_store_idx %scatter3A_952[%add3A_850], %mul3A_950 masked %and3A_931 {add = true} : memref<16384xf32, #tpu.memory_space<vmem>>[vector<16xi32>], vector<16xf32>, vector<16xi1>
            %mul3A_953 = arith.mulf %mul3A_927, %select_n3A_775 : vector<16xf32>
            %scatter3A_954 = arith.constant 16384 : i32
            %scatter3A_955 = tpu.memref_slice %arg14[%scatter3A_954] : memref<65536xf32, #tpu.memory_space<vmem>> -> memref<16384xf32, #tpu.memory_space<vmem>>
            tpu.vector_store_idx %scatter3A_955[%add3A_853], %mul3A_953 masked %and3A_931 {add = true} : memref<16384xf32, #tpu.memory_space<vmem>>[vector<16xi32>], vector<16xf32>, vector<16xi1>
            %mul3A_956 = arith.mulf %mul3A_927, %select_n3A_791 : vector<16xf32>
            %scatter3A_957 = arith.constant 16384 : i32
            %scatter3A_958 = tpu.memref_slice %arg14[%scatter3A_957] : memref<65536xf32, #tpu.memory_space<vmem>> -> memref<16384xf32, #tpu.memory_space<vmem>>
            tpu.vector_store_idx %scatter3A_958[%add3A_856], %mul3A_956 masked %and3A_931 {add = true} : memref<16384xf32, #tpu.memory_space<vmem>>[vector<16xi32>], vector<16xf32>, vector<16xi1>
            %mul3A_959 = arith.mulf %mul3A_927, %select_n3A_807 : vector<16xf32>
            %scatter3A_960 = arith.constant 16384 : i32
            %scatter3A_961 = tpu.memref_slice %arg14[%scatter3A_960] : memref<65536xf32, #tpu.memory_space<vmem>> -> memref<16384xf32, #tpu.memory_space<vmem>>
            tpu.vector_store_idx %scatter3A_961[%add3A_859], %mul3A_959 masked %and3A_931 {add = true} : memref<16384xf32, #tpu.memory_space<vmem>>[vector<16xi32>], vector<16xf32>, vector<16xi1>
            %mul3A_962 = arith.mulf %mul3A_927, %select_n3A_823 : vector<16xf32>
            %scatter3A_963 = arith.constant 16384 : i32
            %scatter3A_964 = tpu.memref_slice %arg14[%scatter3A_963] : memref<65536xf32, #tpu.memory_space<vmem>> -> memref<16384xf32, #tpu.memory_space<vmem>>
            tpu.vector_store_idx %scatter3A_964[%add3A_862], %mul3A_962 masked %and3A_931 {add = true} : memref<16384xf32, #tpu.memory_space<vmem>>[vector<16xi32>], vector<16xf32>, vector<16xi1>
            %add3A_965 = arith.constant 2.000000e+00 : f32
            %add3A_966 = vector.broadcast %add3A_965 : f32 to vector<16xf32>
            %add3A_967 = arith.addf %convert_element_type3A_10, %add3A_966 : vector<16xf32>
            %mul3A_968 = arith.constant 0.00787401571 : f32
            %mul3A_969 = vector.broadcast %mul3A_968 : f32 to vector<16xf32>
            %mul3A_970 = arith.mulf %add3A_967, %mul3A_969 : vector<16xf32>
            %sub3A_971 = arith.subf %mul3A_970, %gather3A_558 : vector<16xf32>
            %mul3A_972 = arith.mulf %sub3A_971, %sub3A_971 : vector<16xf32>
            %neg3A_973 = arith.constant 0.000000e+00 : f32
            %neg3A_974 = vector.broadcast %neg3A_973 : f32 to vector<16xf32>
            %neg3A_975 = arith.subf %neg3A_974, %mul3A_972 : vector<16xf32>
            %mul3A_976 = arith.mulf %neg3A_975, %div3A_572 : vector<16xf32>
            %exp3A_977 = math.exp %mul3A_976 : vector<16xf32>
            %mul3A_978 = arith.mulf %exp3A_977, %mul3A_638 : vector<16xf32>
            %ge3A_979 = arith.cmpf oge, %add3A_967, %convert_element_type3A_590 : vector<16xf32>
            %le3A_980 = arith.cmpf ole, %add3A_967, %convert_element_type3A_596 : vector<16xf32>
            %and3A_981 = arith.andi %ge3A_979, %le3A_980 : vector<16xi1>
            %and3A_982 = arith.andi %and3A_641, %and3A_981 : vector<16xi1>
            %mul3A_983 = arith.mulf %mul3A_978, %select_n3A_663 : vector<16xf32>
            %scatter3A_984 = arith.constant 32768 : i32
            %scatter3A_985 = tpu.memref_slice %arg14[%scatter3A_984] : memref<65536xf32, #tpu.memory_space<vmem>> -> memref<16384xf32, #tpu.memory_space<vmem>>
            tpu.vector_store_idx %scatter3A_985[%add3A_832], %mul3A_983 masked %and3A_982 {add = true} : memref<16384xf32, #tpu.memory_space<vmem>>[vector<16xi32>], vector<16xf32>, vector<16xi1>
            %mul3A_986 = arith.mulf %mul3A_978, %select_n3A_679 : vector<16xf32>
            %scatter3A_987 = arith.constant 32768 : i32
            %scatter3A_988 = tpu.memref_slice %arg14[%scatter3A_987] : memref<65536xf32, #tpu.memory_space<vmem>> -> memref<16384xf32, #tpu.memory_space<vmem>>
            tpu.vector_store_idx %scatter3A_988[%add3A_835], %mul3A_986 masked %and3A_982 {add = true} : memref<16384xf32, #tpu.memory_space<vmem>>[vector<16xi32>], vector<16xf32>, vector<16xi1>
            %mul3A_989 = arith.mulf %mul3A_978, %select_n3A_695 : vector<16xf32>
            %scatter3A_990 = arith.constant 32768 : i32
            %scatter3A_991 = tpu.memref_slice %arg14[%scatter3A_990] : memref<65536xf32, #tpu.memory_space<vmem>> -> memref<16384xf32, #tpu.memory_space<vmem>>
            tpu.vector_store_idx %scatter3A_991[%add3A_838], %mul3A_989 masked %and3A_982 {add = true} : memref<16384xf32, #tpu.memory_space<vmem>>[vector<16xi32>], vector<16xf32>, vector<16xi1>
            %mul3A_992 = arith.mulf %mul3A_978, %select_n3A_711 : vector<16xf32>
            %scatter3A_993 = arith.constant 32768 : i32
            %scatter3A_994 = tpu.memref_slice %arg14[%scatter3A_993] : memref<65536xf32, #tpu.memory_space<vmem>> -> memref<16384xf32, #tpu.memory_space<vmem>>
            tpu.vector_store_idx %scatter3A_994[%add3A_841], %mul3A_992 masked %and3A_982 {add = true} : memref<16384xf32, #tpu.memory_space<vmem>>[vector<16xi32>], vector<16xf32>, vector<16xi1>
            %mul3A_995 = arith.mulf %mul3A_978, %select_n3A_727 : vector<16xf32>
            %scatter3A_996 = arith.constant 32768 : i32
            %scatter3A_997 = tpu.memref_slice %arg14[%scatter3A_996] : memref<65536xf32, #tpu.memory_space<vmem>> -> memref<16384xf32, #tpu.memory_space<vmem>>
            tpu.vector_store_idx %scatter3A_997[%add3A_844], %mul3A_995 masked %and3A_982 {add = true} : memref<16384xf32, #tpu.memory_space<vmem>>[vector<16xi32>], vector<16xf32>, vector<16xi1>
            %mul3A_998 = arith.mulf %mul3A_978, %select_n3A_743 : vector<16xf32>
            %scatter3A_999 = arith.constant 32768 : i32
            %scatter3A_1000 = tpu.memref_slice %arg14[%scatter3A_999] : memref<65536xf32, #tpu.memory_space<vmem>> -> memref<16384xf32, #tpu.memory_space<vmem>>
            tpu.vector_store_idx %scatter3A_1000[%add3A_847], %mul3A_998 masked %and3A_982 {add = true} : memref<16384xf32, #tpu.memory_space<vmem>>[vector<16xi32>], vector<16xf32>, vector<16xi1>
            %mul3A_1001 = arith.mulf %mul3A_978, %select_n3A_759 : vector<16xf32>
            %scatter3A_1002 = arith.constant 32768 : i32
            %scatter3A_1003 = tpu.memref_slice %arg14[%scatter3A_1002] : memref<65536xf32, #tpu.memory_space<vmem>> -> memref<16384xf32, #tpu.memory_space<vmem>>
            tpu.vector_store_idx %scatter3A_1003[%add3A_850], %mul3A_1001 masked %and3A_982 {add = true} : memref<16384xf32, #tpu.memory_space<vmem>>[vector<16xi32>], vector<16xf32>, vector<16xi1>
            %mul3A_1004 = arith.mulf %mul3A_978, %select_n3A_775 : vector<16xf32>
            %scatter3A_1005 = arith.constant 32768 : i32
            %scatter3A_1006 = tpu.memref_slice %arg14[%scatter3A_1005] : memref<65536xf32, #tpu.memory_space<vmem>> -> memref<16384xf32, #tpu.memory_space<vmem>>
            tpu.vector_store_idx %scatter3A_1006[%add3A_853], %mul3A_1004 masked %and3A_982 {add = true} : memref<16384xf32, #tpu.memory_space<vmem>>[vector<16xi32>], vector<16xf32>, vector<16xi1>
            %mul3A_1007 = arith.mulf %mul3A_978, %select_n3A_791 : vector<16xf32>
            %scatter3A_1008 = arith.constant 32768 : i32
            %scatter3A_1009 = tpu.memref_slice %arg14[%scatter3A_1008] : memref<65536xf32, #tpu.memory_space<vmem>> -> memref<16384xf32, #tpu.memory_space<vmem>>
            tpu.vector_store_idx %scatter3A_1009[%add3A_856], %mul3A_1007 masked %and3A_982 {add = true} : memref<16384xf32, #tpu.memory_space<vmem>>[vector<16xi32>], vector<16xf32>, vector<16xi1>
            %mul3A_1010 = arith.mulf %mul3A_978, %select_n3A_807 : vector<16xf32>
            %scatter3A_1011 = arith.constant 32768 : i32
            %scatter3A_1012 = tpu.memref_slice %arg14[%scatter3A_1011] : memref<65536xf32, #tpu.memory_space<vmem>> -> memref<16384xf32, #tpu.memory_space<vmem>>
            tpu.vector_store_idx %scatter3A_1012[%add3A_859], %mul3A_1010 masked %and3A_982 {add = true} : memref<16384xf32, #tpu.memory_space<vmem>>[vector<16xi32>], vector<16xf32>, vector<16xi1>
            %mul3A_1013 = arith.mulf %mul3A_978, %select_n3A_823 : vector<16xf32>
            %scatter3A_1014 = arith.constant 32768 : i32
            %scatter3A_1015 = tpu.memref_slice %arg14[%scatter3A_1014] : memref<65536xf32, #tpu.memory_space<vmem>> -> memref<16384xf32, #tpu.memory_space<vmem>>
            tpu.vector_store_idx %scatter3A_1015[%add3A_862], %mul3A_1013 masked %and3A_982 {add = true} : memref<16384xf32, #tpu.memory_space<vmem>>[vector<16xi32>], vector<16xf32>, vector<16xi1>
            %add3A_1016 = arith.constant 3.000000e+00 : f32
            %add3A_1017 = vector.broadcast %add3A_1016 : f32 to vector<16xf32>
            %add3A_1018 = arith.addf %convert_element_type3A_10, %add3A_1017 : vector<16xf32>
            %mul3A_1019 = arith.constant 0.00787401571 : f32
            %mul3A_1020 = vector.broadcast %mul3A_1019 : f32 to vector<16xf32>
            %mul3A_1021 = arith.mulf %add3A_1018, %mul3A_1020 : vector<16xf32>
            %sub3A_1022 = arith.subf %mul3A_1021, %gather3A_558 : vector<16xf32>
            %mul3A_1023 = arith.mulf %sub3A_1022, %sub3A_1022 : vector<16xf32>
            %neg3A_1024 = arith.constant 0.000000e+00 : f32
            %neg3A_1025 = vector.broadcast %neg3A_1024 : f32 to vector<16xf32>
            %neg3A_1026 = arith.subf %neg3A_1025, %mul3A_1023 : vector<16xf32>
            %mul3A_1027 = arith.mulf %neg3A_1026, %div3A_572 : vector<16xf32>
            %exp3A_1028 = math.exp %mul3A_1027 : vector<16xf32>
            %mul3A_1029 = arith.mulf %exp3A_1028, %mul3A_638 : vector<16xf32>
            %ge3A_1030 = arith.cmpf oge, %add3A_1018, %convert_element_type3A_590 : vector<16xf32>
            %le3A_1031 = arith.cmpf ole, %add3A_1018, %convert_element_type3A_596 : vector<16xf32>
            %and3A_1032 = arith.andi %ge3A_1030, %le3A_1031 : vector<16xi1>
            %and3A_1033 = arith.andi %and3A_641, %and3A_1032 : vector<16xi1>
            %mul3A_1034 = arith.mulf %mul3A_1029, %select_n3A_663 : vector<16xf32>
            %scatter3A_1035 = arith.constant 49152 : i32
            %scatter3A_1036 = tpu.memref_slice %arg14[%scatter3A_1035] : memref<65536xf32, #tpu.memory_space<vmem>> -> memref<16384xf32, #tpu.memory_space<vmem>>
            tpu.vector_store_idx %scatter3A_1036[%add3A_832], %mul3A_1034 masked %and3A_1033 {add = true} : memref<16384xf32, #tpu.memory_space<vmem>>[vector<16xi32>], vector<16xf32>, vector<16xi1>
            %mul3A_1037 = arith.mulf %mul3A_1029, %select_n3A_679 : vector<16xf32>
            %scatter3A_1038 = arith.constant 49152 : i32
            %scatter3A_1039 = tpu.memref_slice %arg14[%scatter3A_1038] : memref<65536xf32, #tpu.memory_space<vmem>> -> memref<16384xf32, #tpu.memory_space<vmem>>
            tpu.vector_store_idx %scatter3A_1039[%add3A_835], %mul3A_1037 masked %and3A_1033 {add = true} : memref<16384xf32, #tpu.memory_space<vmem>>[vector<16xi32>], vector<16xf32>, vector<16xi1>
            %mul3A_1040 = arith.mulf %mul3A_1029, %select_n3A_695 : vector<16xf32>
            %scatter3A_1041 = arith.constant 49152 : i32
            %scatter3A_1042 = tpu.memref_slice %arg14[%scatter3A_1041] : memref<65536xf32, #tpu.memory_space<vmem>> -> memref<16384xf32, #tpu.memory_space<vmem>>
            tpu.vector_store_idx %scatter3A_1042[%add3A_838], %mul3A_1040 masked %and3A_1033 {add = true} : memref<16384xf32, #tpu.memory_space<vmem>>[vector<16xi32>], vector<16xf32>, vector<16xi1>
            %mul3A_1043 = arith.mulf %mul3A_1029, %select_n3A_711 : vector<16xf32>
            %scatter3A_1044 = arith.constant 49152 : i32
            %scatter3A_1045 = tpu.memref_slice %arg14[%scatter3A_1044] : memref<65536xf32, #tpu.memory_space<vmem>> -> memref<16384xf32, #tpu.memory_space<vmem>>
            tpu.vector_store_idx %scatter3A_1045[%add3A_841], %mul3A_1043 masked %and3A_1033 {add = true} : memref<16384xf32, #tpu.memory_space<vmem>>[vector<16xi32>], vector<16xf32>, vector<16xi1>
            %mul3A_1046 = arith.mulf %mul3A_1029, %select_n3A_727 : vector<16xf32>
            %scatter3A_1047 = arith.constant 49152 : i32
            %scatter3A_1048 = tpu.memref_slice %arg14[%scatter3A_1047] : memref<65536xf32, #tpu.memory_space<vmem>> -> memref<16384xf32, #tpu.memory_space<vmem>>
            tpu.vector_store_idx %scatter3A_1048[%add3A_844], %mul3A_1046 masked %and3A_1033 {add = true} : memref<16384xf32, #tpu.memory_space<vmem>>[vector<16xi32>], vector<16xf32>, vector<16xi1>
            %mul3A_1049 = arith.mulf %mul3A_1029, %select_n3A_743 : vector<16xf32>
            %scatter3A_1050 = arith.constant 49152 : i32
            %scatter3A_1051 = tpu.memref_slice %arg14[%scatter3A_1050] : memref<65536xf32, #tpu.memory_space<vmem>> -> memref<16384xf32, #tpu.memory_space<vmem>>
            tpu.vector_store_idx %scatter3A_1051[%add3A_847], %mul3A_1049 masked %and3A_1033 {add = true} : memref<16384xf32, #tpu.memory_space<vmem>>[vector<16xi32>], vector<16xf32>, vector<16xi1>
            %mul3A_1052 = arith.mulf %mul3A_1029, %select_n3A_759 : vector<16xf32>
            %scatter3A_1053 = arith.constant 49152 : i32
            %scatter3A_1054 = tpu.memref_slice %arg14[%scatter3A_1053] : memref<65536xf32, #tpu.memory_space<vmem>> -> memref<16384xf32, #tpu.memory_space<vmem>>
            tpu.vector_store_idx %scatter3A_1054[%add3A_850], %mul3A_1052 masked %and3A_1033 {add = true} : memref<16384xf32, #tpu.memory_space<vmem>>[vector<16xi32>], vector<16xf32>, vector<16xi1>
            %mul3A_1055 = arith.mulf %mul3A_1029, %select_n3A_775 : vector<16xf32>
            %scatter3A_1056 = arith.constant 49152 : i32
            %scatter3A_1057 = tpu.memref_slice %arg14[%scatter3A_1056] : memref<65536xf32, #tpu.memory_space<vmem>> -> memref<16384xf32, #tpu.memory_space<vmem>>
            tpu.vector_store_idx %scatter3A_1057[%add3A_853], %mul3A_1055 masked %and3A_1033 {add = true} : memref<16384xf32, #tpu.memory_space<vmem>>[vector<16xi32>], vector<16xf32>, vector<16xi1>
            %mul3A_1058 = arith.mulf %mul3A_1029, %select_n3A_791 : vector<16xf32>
            %scatter3A_1059 = arith.constant 49152 : i32
            %scatter3A_1060 = tpu.memref_slice %arg14[%scatter3A_1059] : memref<65536xf32, #tpu.memory_space<vmem>> -> memref<16384xf32, #tpu.memory_space<vmem>>
            tpu.vector_store_idx %scatter3A_1060[%add3A_856], %mul3A_1058 masked %and3A_1033 {add = true} : memref<16384xf32, #tpu.memory_space<vmem>>[vector<16xi32>], vector<16xf32>, vector<16xi1>
            %mul3A_1061 = arith.mulf %mul3A_1029, %select_n3A_807 : vector<16xf32>
            %scatter3A_1062 = arith.constant 49152 : i32
            %scatter3A_1063 = tpu.memref_slice %arg14[%scatter3A_1062] : memref<65536xf32, #tpu.memory_space<vmem>> -> memref<16384xf32, #tpu.memory_space<vmem>>
            tpu.vector_store_idx %scatter3A_1063[%add3A_859], %mul3A_1061 masked %and3A_1033 {add = true} : memref<16384xf32, #tpu.memory_space<vmem>>[vector<16xi32>], vector<16xf32>, vector<16xi1>
            %mul3A_1064 = arith.mulf %mul3A_1029, %select_n3A_823 : vector<16xf32>
            %scatter3A_1065 = arith.constant 49152 : i32
            %scatter3A_1066 = tpu.memref_slice %arg14[%scatter3A_1065] : memref<65536xf32, #tpu.memory_space<vmem>> -> memref<16384xf32, #tpu.memory_space<vmem>>
            tpu.vector_store_idx %scatter3A_1066[%add3A_862], %mul3A_1064 masked %and3A_1033 {add = true} : memref<16384xf32, #tpu.memory_space<vmem>>[vector<16xi32>], vector<16xf32>, vector<16xi1>
          } else {
          }
        }
        %scan3A_45 = arith.constant 8 : i32
      } else {
      }
    }
    %scan3A_31 = arith.constant 626 : i32
    %mul3A_32 = arith.constant 65536 : i32
    %mul3A_33 = arith.muli %add3A, %mul3A_32 : i32
    "tpu.region"() ({
      %run_scoped3A = tpu.sem_alloc : memref<!tpu.dma_semaphore, #tpu.memory_space<semaphore_mem>>
      %dma_start3A = tpu.memref_slice %arg7[%mul3A_33] : memref<2097152xf32, #tpu.memory_space<hbm>> -> memref<65536xf32, #tpu.memory_space<hbm>>
      %dma_start3A_34 = tpu.memref_slice %arg7[%mul3A_33] : memref<2097152xf32, #tpu.memory_space<hbm>> -> memref<65536xf32, #tpu.memory_space<hbm>>
      tpu.enqueue_dma source(%arg14 : memref<65536xf32, #tpu.memory_space<vmem>>) target(%dma_start3A_34 : memref<65536xf32, #tpu.memory_space<hbm>>) target_semaphore(%run_scoped3A : memref<!tpu.dma_semaphore, #tpu.memory_space<semaphore_mem>>)
      %dma_wait3A = tpu.memref_slice %arg7[%mul3A_33] : memref<2097152xf32, #tpu.memory_space<hbm>> -> memref<65536xf32, #tpu.memory_space<hbm>>
      %dma_wait3A_35 = tpu.memref_slice %arg7[%mul3A_33] : memref<2097152xf32, #tpu.memory_space<hbm>> -> memref<65536xf32, #tpu.memory_space<hbm>>
      tpu.wait_dma2 semaphore(%run_scoped3A : memref<!tpu.dma_semaphore, #tpu.memory_space<semaphore_mem>>) src(%arg14 : memref<65536xf32, #tpu.memory_space<vmem>>) dst(%dma_wait3A_35 : memref<65536xf32, #tpu.memory_space<hbm>>)
      tpu.yield
    }) : () -> ()
    return
  }
}

</mosaic_0001>

<sc_bundles>
// kernel: kernel.3.cloned.1.call-start
scs
__scs_entry_jumppad:
0x0: {  	(pc) =	sbr.rel $0x88, $3  }
0x1: {  	(tag) =	ssettag $0x0;
	lr =	simm.s32 $0x1  }
0x2: {  	[smem:$0x3F9E] =	sst lr;
	_ =	strace $0xD0000000  }
0x3: {  	_ = 	snop  }
0x4: {  	_ = 	snop  }
0x5: {  	_ = 	snop  }
0x6: {  	_ = 	snop  }
0x7: {  	_ = 	snop  }
__scs_overlays_trampoline_lowered:
0x8: {  	[smem:$0x3FAD] =	sst s0  }
0x9: {  	[smem:$0x3FAE] =	sst s1  }
0xa: {  	[smem:$0x3FAF] =	sst s2  }
0xb: {  	[smem:$0x3FB0] =	sst s3  }
0xc: {  	[smem:$0x3FB1] =	sst s4  }
0xd: {  	[smem:$0x3FB2] =	sst s5  }
0xe: {  	[smem:$0x3FB3] =	sst s6  }
0xf: {  	[smem:$0x3FB4] =	sst s7  }
0x10: {  	[smem:$0x3FB5] =	sst s8  }
0x11: {  	[smem:$0x3FB6] =	sst s9;
	s0 =	simm.s32 @!p0 $0x0  }
0x12: {  	s1 =	sld [smem:$0x3F9C];
	s0 =	simm.s32 @p0 $0x1  }
0x13: {  	[smem:$0x3FB7] =	sst s0;
	s0 =	simm.s32 @!p1 $0x0  }
0x14: {  	s2 =	sld [smem:$0x3F9B];
	s0 =	simm.s32 @p1 $0x1  }
0x15: {  	[smem:$0x3FB8] =	sst s0;
	s0 =	simm.s32 @!p2 $0x0  }
0x16: {  	s3 =	sld [smem:$0x3FDB];
	s0 =	simm.s32 @p2 $0x1  }
0x17: {  	s4 =	simm.s32 $0x1BF5;
	[smem:$0x3FBA] =	sst s0  }
0x18: {  	s0 =	sld [smem:$0x3F9D];
	_ =	swait.ge [sflag:s4], $0x0  }
0x19: {  	s7 =	sld [smem:$0x3F9E]  }
0x1a: {  	s8 =	sadd.s32 $0xFFFFE003, lr  }
0x1b: {  	s9 =	sadd.s32 $0xFFFFFEF7, lr;
	s5 =	simm.s32 $0xFFFFFFFF;
	p2 =	slt.u32 s8, $0xFFFFF086  }
0x1c: {  	p1 =	slt.u32 s9, $0xF7A;
	s5 =	simm.s32 @!p2 $0x0  }
0x1d: {  	s5 =	simm.s32 @p1 $0x1;
	p0 =	seq.s32 s7, s2  }
0x1e: {  	s7 =	smul.u32 @!p0 $0xF7A, s2;
	p2 =	seq.s32 @!p0 s5, $0x0  }
0x1f: {  	s9 =	smul.u32 $0xF7A, s1;
	s8 =	simm.s32 @!p0 $0x1BF5;
	p2 =	por !p2, p0  }
0x20: {  	[sflag:s8] =	ssyncset.s32 @!p0 $0xFFFFF086;
	s6 =	sadd.s32 @!p0 s3, s7;
	s7 =	simm.s32 @!p0 $0x108  }
0x21: {  	s3 =	sadd.s32 s3, s9;
	s6 =	sadd.s32 @!p0 $0x88, s6;
	s7 =	simm.s32 @p2 $0x1082  }
0x22: {  	[simem:s7], [sflag:s8] =	dma.local @!p0 [hbm:s6], $0xF7A  }
0x23: {  	s9 =	sor.u32 $0xD0000000, s2;
	s6 =	simm.s32 $0x108;
	_ =	swait.ge @!p0 [sflag:s8], $0x0  }
0x24: {  	s3 =	sadd.s32 $0x88, s3;
	s6 =	simm.s32 @!p1 $0x1082;
	[sflag:s4] =	ssyncset.s32 $0xFFFFF086  }
0x25: {  	[simem:s6], [sflag:s4] =	dma.local [hbm:s3], $0xF7A  }
0x26: {  	[smem:$0x3F9E] =	sst s1;
	(tag) =	ssettag s2;
	_ =	strace s9  }
0x27: {  	s1 =	sld [smem:$0x3FAE]  }
0x28: {  	s2 =	sld [smem:$0x3FAF]  }
0x29: {  	s4 =	sld [smem:$0x3FB1]  }
0x2a: {  	p0 =	seq.s32 s5, $0x0;
	s5 =	sld [smem:$0x3FB2]  }
0x2b: {  	s6 =	sld [smem:$0x3FB3]  }
0x2c: {  	s7 =	sld [smem:$0x3FB4]  }
0x2d: {  	s3 =	simm.s32 $0x108;
	s8 =	sld [smem:$0x3FB5]  }
0x2e: {  	s3 =	simm.s32 @!p0 $0x1082;
	s9 =	sld [smem:$0x3FB6]  }
0x2f: {  	lr =	sadd.s32 s0, s3;
	s0 =	sld [smem:$0x3FAD]  }
0x30: {  	s3 =	sld [smem:$0x3FB0]  }
0x31: {  	[smem:$0x3FB9] =	sst s10  }
0x32: {  	s10 =	sld [smem:$0x3FB7];
	_ =	sdelay $0x3  }
0x33: {  	p0 =	seq.s32 s10, $0x1;
	s10 =	sld [smem:$0x3FB9];
	_ =	sdelay $0x3  }
0x34: {  	[smem:$0x3FB9] =	sst s10  }
0x35: {  	s10 =	sld [smem:$0x3FB8];
	_ =	sdelay $0x3  }
0x36: {  	p1 =	seq.s32 s10, $0x1;
	s10 =	sld [smem:$0x3FB9];
	_ =	sdelay $0x3  }
0x37: {  	[smem:$0x3FB9] =	sst s10  }
0x38: {  	s10 =	sld [smem:$0x3FBA]  }
0x39: {  	_ = 	snop;
	(pc) =	sbr.ind lr, $3  }
0x3a: {  	_ = 	snop  }
0x3b: {  	_ = 	snop  }
0x3c: {  	p2 =	seq.s32 s10, $0x1;
	s10 =	sld [smem:$0x3FB9]  }
0x3d: {  	_ =	shalt  }
0x3e: {  	_ =	shalt  }
0x3f: {  	_ =	shalt  }
0x40: {  	_ =	shalt  }
0x41: {  	_ =	shalt  }
0x42: {  	_ =	shalt  }
0x43: {  	_ =	shalt  }
0x44: {  	_ =	shalt  }
0x45: {  	_ =	shalt  }
0x46: {  	_ =	shalt  }
0x47: {  	_ =	shalt  }
0x48: {  	_ =	shalt  }
0x49: {  	_ =	shalt  }
0x4a: {  	_ =	shalt  }
0x4b: {  	_ =	shalt  }
0x4c: {  	_ =	shalt  }
0x4d: {  	_ =	shalt  }
0x4e: {  	_ =	shalt  }
0x4f: {  	_ =	shalt  }
0x50: {  	_ =	shalt  }
0x51: {  	_ =	shalt  }
0x52: {  	_ =	shalt  }
0x53: {  	_ =	shalt  }
0x54: {  	_ =	shalt  }
0x55: {  	_ =	shalt  }
0x56: {  	_ =	shalt  }
0x57: {  	_ =	shalt  }
0x58: {  	_ =	shalt  }
0x59: {  	_ =	shalt  }
0x5a: {  	_ =	shalt  }
0x5b: {  	_ =	shalt  }
0x5c: {  	_ =	shalt  }
0x5d: {  	_ =	shalt  }
0x5e: {  	_ =	shalt  }
0x5f: {  	_ =	shalt  }
0x60: {  	_ =	shalt  }
0x61: {  	_ =	shalt  }
0x62: {  	_ =	shalt  }
0x63: {  	_ =	shalt  }
0x64: {  	_ =	shalt  }
0x65: {  	_ =	shalt  }
0x66: {  	_ =	shalt  }
0x67: {  	_ =	shalt  }
0x68: {  	_ =	shalt  }
0x69: {  	_ =	shalt  }
0x6a: {  	_ =	shalt  }
0x6b: {  	_ =	shalt  }
0x6c: {  	_ =	shalt  }
0x6d: {  	_ =	shalt  }
0x6e: {  	_ =	shalt  }
0x6f: {  	_ =	shalt  }
0x70: {  	_ =	shalt  }
0x71: {  	_ =	shalt  }
0x72: {  	_ =	shalt  }
0x73: {  	_ =	shalt  }
0x74: {  	_ =	shalt  }
0x75: {  	_ =	shalt  }
0x76: {  	_ =	shalt  }
0x77: {  	_ =	shalt  }
0x78: {  	_ =	shalt  }
0x79: {  	_ =	shalt  }
0x7a: {  	_ =	shalt  }
0x7b: {  	_ =	shalt  }
0x7c: {  	_ =	shalt  }
0x7d: {  	_ =	shalt  }
0x7e: {  	_ =	shalt  }
0x7f: {  	_ =	shalt  }
0x80: {  	_ =	shalt  }
0x81: {  	_ =	shalt  }
0x82: {  	_ =	shalt  }
0x83: {  	_ =	shalt  }
0x84: {  	_ =	shalt  }
0x85: {  	_ =	shalt  }
0x86: {  	_ =	shalt  }
0x87: {  	_ =	shalt  }
.Lfunc_end0:
.L_simem_size_0:
called_computation_lowered:
.L_overlay_start_0:
0x88: {  	s2 =	sld [smem:$0x3FD9]  }
0x89: {  	s3 =	sld [smem:$0x3FFE];
	_ =	sdelay $0x1  }
0x8a: {  	s1 =	srdreg.scid  }
0x8b: {  	s0 =	sand.u32 $0x1, s1  }
0x8c: {  	s17 =	sshll.u32 s0, $0xA;
	s2 =	sadd.s32 s3, s2  }
0x8d: {  	s2 =	sadd.s32 s2, s17  }
0x8e: {  	[smem:$0x3FC5] =	sst s2  }
0x8f: {  	_ = 	snop  }
0x90: {  	s2 =	sld [smem:$0x3FD0];
	(tm) =	ssettm $0x1  }
0x91: {  	s18 =	sld [smem:$0x3FFB];
	_ =	sdelay $0x3  }
0x92: {  	_ =	strace s18  }
0x93: {  	s3 =	sld [smem:$0x3FFC];
	_ =	sdelay $0x3  }
0x94: {  	_ =	strace s3  }
0x95: {  	s3 =	sld [smem:$0x3FFD];
	_ =	sdelay $0x3  }
0x96: {  	_ =	strace s3  }
0x97: {  	_ =	strace $0x8FFFFFFF  }
0x98: {  	s19 =	sld [smem:$0x3FDB];
	_ =	sdelay $0x1  }
0x99: {  	s4 =	simm.s32 $_scs_section_size  }
0x9a: {  	s5 =	simm.s32 $_size__tile_overlayer_lowered;
	s6 =	simm.s32 $_tile_overlayer_lowered  }
0x9b: {  	s22 =	simm.s32 $0x1BFF;
	s21 =	sshll.u32 s6, $0x1;
	s3 =	sadd.s32 s4, s19  }
0x9c: {  	s7 =	simm.s32 $0x0;
	s20 =	sshll.u32 s5, $0x1;
	s5 =	sadd.s32 s21, s3  }
0x9d: {  	[timem:s7], [sflag:s22] =	dma.local [hbm:s5], s20  }
0x9e: {  	_ =	swait.ge [sflag:s22], s20  }
0x9f: {  	s4 =	ssub.s32 $0x0, s20;
	[sflag:s22] =	ssyncset.done $0x0  }
0xa0: {  	[sflag:s22] =	ssyncadd.s32 s4;
	_ =	sdelay $0x1  }
0xa1: {  	s23 =	simm.s32 $0x1B8B  }
0xa2: {  	_ =	swait.ge [sflag:s23], $0x1  }
0xa3: {  	[sflag:s23] =	ssyncset.done $0x0  }
0xa4: {  	s25 =	simm.s32 $0x1B8E;
	s24 =	sld [smem:$0x3FFE];
	[sflag:s23] =	ssyncadd.s32 $0xFFFFFFFF  }
0xa5: {  	s26 =	simm.s32 $execute0_lowered;
	[smem:$0x3FD2] =	sst s25  }
0xa6: {  	s5 =	sshll.u32 s26, $0x1;
	_ =	strace $0x80000046;
	[dreg:$0x1] =	wrdreg $0xFFFFFFFF  }
0xa7: {  	s28 =	simm.s32 $_size_execute0_lowered;
	s3 =	sadd.s32 s3, s5;
	[dreg:$0x0] =	wrdreg $0x0  }
0xa8: {  	s5 =	sshll.u32 s28, $0x1;
	[dreg:$0x2] =	wrdreg s3  }
0xa9: {  	[dreg:$0x3] =	wrdreg s5  }
0xaa: {  	[dreg:$0x4] =	wrdreg $0xC0  }
0xab: {  	_ =	task [dreg:s7], $0x5FFFF  }
0xac: {  	[dreg:$0x1] =	wrdreg $0xFFFFFFFF  }
0xad: {  	[dreg:$0x0] =	wrdreg $0x60  }
0xae: {  	[dreg:$0x2] =	wrdreg s24  }
0xaf: {  	[dreg:$0x3] =	wrdreg s2  }
0xb0: {  	[dreg:$0x4] =	wrdreg $0x9  }
0xb1: {  	_ =	task.clear_ibuf [dreg:s7], $0x5FFFF;
	_ =	strace $0x90000046  }
0xb2: {  	s29 =	simm.s32 $0x9;
	_ =	strace $0x80000048  }
0xb3: {  	_ =	swait.ge [sflag:s29], $0x1  }
0xb4: {  	[sflag:s29] =	ssyncadd.s32 $0xFFFFFFFF  }
0xb5: {  	_ =	strace $0x90000048  }
0xb6: {  	_ =	sfence  }
0xb7: {  	s30 =	sld [smem:$0x0];
	_ =	sdelay $0x2  }
0xb8: {  	s31 =	sshll.u32 s1, $0xD;
	s1 =	sshrl.u32 s1, $0x2  }
0xb9: {  	s3 =	sand.u32 $0x4000, s31;
	s1 =	sadd.s32 s1, s30  }
0xba: {  	s0 =	sor.u32 s3, s0;
	s1 =	sshll.u32 s1, $0x11  }
0xbb: {  	s0 =	sor.u32 s1, s0  }
0xbc: {  	s0 =	sadd.s32 $0x8F2B, s0  }
0xbd: {  	[sflag:s0] =	ssyncadd.remote.s32 $0x1  }
0xbe: {  	_ =	sfence.sel $0xFFFF  }
0xbf: {  	[dreg:$0x0] =	wrdreg $0xFFFFFFFF;
	(pc) =	sbr.abs _section_cstart, $3  }
0xc0: {  	[dreg:$0x1] =	wrdreg $0xFFFFFFFF  }
0xc1: {  	_ =	task.clear_ibuf [dreg:s7], $0x2FFFF;
	_ =	strace $0x9FFFFFFF  }
0xc2: {  	(tm) =	ssettm $0x7FFFFFFF  }
0xc3: {  	_ =	shalt  }
tec
execute0_lowered:
.L_overlay_start_1:
0x0: {  	(tag) =	ssettag $0x1  }
0x1: {  	s1 =	srdreg.scid;
	s0 =	stileid.u32;
	v1 =	vimm.f32 $1.500000000e+01  }
0x2: {  	vm0 =	vcmask $0x300;
	vm14 =	vcmask $0x704;
	vm15 =	vcmask $0xB08;
	s6 =	sand.u32 $0x1, s1;
	s31 =	sshll.u32 s0, $0x1  }
0x3: {  	vm4 =	vcmask $0xF0C;
	vm5 =	vcmask $0x1310;
	v1 =	vsel vm0, $0x0, v1;
	s7 =	sor.u32 s6, s31  }
0x4: {  	vm6 =	vcmask $0x1714;
	vm7 =	vcmask $0x1B18;
	v1 =	vsel vm14, $0x3F800000, v1;
	s1 =	sshll.u32 s7, $0x2  }
0x5: {  	vm8 =	vcmask $0x1F1C;
	v1 =	vsel vm15, $0x40000000, v1;
	v0 =	vmov s1  }
0x6: {  	vm9 =	vcmask $0x2320;
	v2 =	vsel vm4, $0x40400000, v1;
	v0 =	vcvt.s32.f32 v0  }
0x7: {  	vm10 =	vcmask $0x2724;
	vm11 =	vcmask $0x2B28;
	v3 =	vsel vm5, $0x40800000, v2  }
0x8: {  	vm12 =	vcmask $0x2F2C;
	v4 =	vsel vm6, $0x40A00000, v3;
	v0 =	vbroadcast v0, $0x0  }
0x9: {  	vm13 =	vcmask $0x3330;
	vm14 =	vcmask $0x3734;
	v5 =	vsel vm7, $0x40C00000, v4  }
0xa: {  	s8 =	rddreg [dreg:$0x1];
	vm15 =	vcmask $0x3B38;
	v6 =	vsel vm8, $0x40E00000, v5;
	v3 =	vadd.f32 $1.000000000e+00, v0  }
0xb: {  	s2 =	rddreg [dreg:$0x2];
	s12 =	simm.s32 $0x4F00;
	s13 =	simm.s32 $0x7680;
	v1 =	vadd.f32 $3.000000000e+00, v0;
	v4 =	vadd.f32 $2.000000000e+00, v0;
	v7 =	vsel vm9, $0x41000000, v6  }
0xc: {  	s14 =	simm.s32 $0x9E00;
	s15 =	simm.s32 $0xC580;
	s16 =	simm.s32 $0xED00;
	v2 =	vmul.f32 $7.874015710e-03, v0;
	v8 =	vsel vm10, $0x41100000, v7;
	v5 =	vmul.f32 $7.874015710e-03, v3  }
0xd: {  	s3 =	simm.s32 $0x0;
	s17 =	simm.s32 $0x12D00;
	s18 =	simm.s32 $0x16D00;
	v6 =	vmul.f32 $7.874015710e-03, v4;
	v7 =	vmul.f32 $7.874015710e-03, v1;
	v9 =	vsel vm11, $0x41200000, v8  }
0xe: {  	s19 =	simm.s32 $0x1AD00;
	s20 =	simm.s32 $0x0;
	s9 =	ssub.s32 $0x2, s6;
	v8 =	vimm.f32 $0.0e+00;
	v10 =	vsel vm12, $0x41300000, v9;
	v9 =	vlaneseq.u32  }
.Ltmp0:
0xf: {  	[smem:$0x7FF] =	sst s3;
	s10 =	sshrl.u32 s9, $0x1;
	v11 =	vsel vm13, $0x41400000, v10;
	v10 =	vimm.s32 $0x0;
	v13 =	vor.u32 $0x80, v9;
	(pc) =	sbr.rel .LBB2_1-.Ltmp0, $4  }
0x10: {  	s11 =	sshll.u32 s7, $0xD;
	s1 =	rddreg [dreg:$0x0];
	_ =	strace $0x80000047;
	v14 =	vor.u32 $0x100, v9;
	v15 =	vor.u32 $0x180, v9;
	v16 =	vor.u32 $0x200, v9  }
0x11: {  	s9 =	ssub.s32 s9, s10;
	s8 =	sadd.s32 s8, s11;
	s10 =	simm.s32 $0x1;
	v17 =	vor.u32 $0x280, v9;
	v18 =	vor.u32 $0x300, v9;
	v19 =	vor.u32 $0x380, v9  }
0x12: {  	s11 =	simm.s32 $0x2780;
	s4 =	sadd.s32 $0xC00, s1;
	s5 =	sadd.s32 $0x600, s1;
	v20 =	vor.u32 $0x400, v9;
	v21 =	vor.u32 $0x480, v9;
	v12 =	vsel vm14, $0x41500000, v11  }
0x13: {  	s6 =	sadd.s32 $0x1200, s1;
	s7 =	sadd.s32 $0x1800, s1;
	s9 =	smax.u32 s9, $0x1;
	v22 =	vor.u32 $0x500, v9;
	v11 =	vimm.s32 $0x271F;
	v12 =	vsel vm15, $0x41600000, v12  }
.LBB2_11:
0x14: {  	s20 =	sadd.s32 $0x1, s20  }
0x15: {  	p0 =	sne.s32 s20, s9  }
.Ltmp1:
0x16: {  	_ = 	snop;
	(pc) =	sbr.rel @!p0 .LBB2_12-.Ltmp1, $4  }
0x17: {  	[hbm4b:s8+s3] =	stream.linear.scatter [tilespmem:s16], [sflag:$0x1], $0x10000, $0x38;
	[tilespmem:$0x1ED00] =	vst v63  }
0x18: {  	_ =	swait.ge [sflag:s10], $0x10000  }
0x19: {  	[sflag:s10] =	ssyncset.done $0x0  }
0x1a: {  	[sflag:s10] =	ssyncadd.s32 $0xFFFF0000  }
.LBB2_1:
0x1b: {  	[tilespmem:s3], [sflag:$0x1] =	stream.linear.gather [hbm4b:s4+s3], $0x2780, $0x38;
	[tilespmem:$0x1ED00] =	vst v63  }
0x1c: {  	_ =	swait.ge [sflag:s10], $0x2780  }
0x1d: {  	[sflag:s10] =	ssyncset.done $0x0  }
0x1e: {  	[sflag:s10] =	ssyncadd.s32 $0xFFFFD880  }
0x1f: {  	[tilespmem:s11], [sflag:$0x1] =	stream.linear.gather [hbm4b:s5+s3], $0x2780, $0x38;
	[tilespmem:$0x1ED00] =	vst v63  }
0x20: {  	_ =	swait.ge [sflag:s10], $0x2780  }
0x21: {  	[sflag:s10] =	ssyncset.done $0x0  }
0x22: {  	[sflag:s10] =	ssyncadd.s32 $0xFFFFD880  }
0x23: {  	[tilespmem:s12], [sflag:$0x1] =	stream.linear.gather [hbm4b:s1+s3], $0x2780, $0x38;
	[tilespmem:$0x1ED00] =	vst v63  }
0x24: {  	_ =	swait.ge [sflag:s10], $0x2780  }
0x25: {  	[sflag:s10] =	ssyncset.done $0x0  }
0x26: {  	[sflag:s10] =	ssyncadd.s32 $0xFFFFD880  }
0x27: {  	[tilespmem:s13], [sflag:$0x1] =	stream.linear.gather [hbm4b:s6+s3], $0x2780, $0x38;
	[tilespmem:$0x1ED00] =	vst v63  }
0x28: {  	_ =	swait.ge [sflag:s10], $0x2780  }
0x29: {  	[sflag:s10] =	ssyncset.done $0x0  }
0x2a: {  	[sflag:s10] =	ssyncadd.s32 $0xFFFFD880  }
0x2b: {  	[tilespmem:s14], [sflag:$0x1] =	stream.linear.gather [hbm4b:s7+s3], $0x2780, $0x38;
	[tilespmem:$0x1ED00] =	vst v63  }
0x2c: {  	_ =	swait.ge [sflag:s10], $0x2780  }
0x2d: {  	[sflag:s10] =	ssyncset.done $0x0  }
0x2e: {  	s21 =	simm.s32 $0x0;
	s22 =	simm.s32 $0x200;
	[sflag:s10] =	ssyncadd.s32 $0xFFFFD880  }
.LBB2_2:
0x2f: {  	p0 =	sne.s32 s22, $0x3FE00;
	[tilespmem:s21+$0xED70] =	vst v8  }
0x30: {  	[tilespmem:s21+$0xED00] =	vst v8  }
0x31: {  	[tilespmem:s21+$0xED10] =	vst v8  }
.Ltmp2:
0x32: {  	[tilespmem:s21+$0xED20] =	vst v8;
	(pc) =	sbr.rel @p0 .LBB2_2-.Ltmp2, $4  }
0x33: {  	[tilespmem:s21+$0xED30] =	vst v8  }
0x34: {  	[tilespmem:s21+$0xED40] =	vst v8  }
0x35: {  	[tilespmem:s21+$0xED50] =	vst v8  }
0x36: {  	[tilespmem:s21+$0xED60] =	vst v8;
	s21 =	sshra.s32 s22, $0x2;
	s22 =	sadd.s32 $0x200, s22  }
0x37: {  	[tilespmem:s21+$0xED70] =	vst v8  }
0x38: {  	[tilespmem:s21+$0xED00] =	vst v8  }
0x39: {  	[tilespmem:s21+$0xED10] =	vst v8  }
0x3a: {  	[tilespmem:s21+$0xED20] =	vst v8  }
0x3b: {  	[tilespmem:s21+$0xED30] =	vst v8  }
0x3c: {  	[tilespmem:s21+$0xED40] =	vst v8  }
0x3d: {  	[tilespmem:s21+$0xED50] =	vst v8  }
0x3e: {  	[tilespmem:s21+$0xED60] =	vst v8;
	s31 =	simm.s32 $0x7680  }
0x3f: {  	v23 =	vld [tilespmem:s31+$0x0]  }
0x40: {  	s21 =	simm.s32 $0x0  }
0x41: {  	v24 =	vld [tilespmem:s21+$0x0];
	_ =	sdelay $0x2  }
0x42: {  	v23 =	vmul.f32 $3.000000000e+00, v23;
	_ =	sdelay $0x1  }
0x43: {  	v24 =	vmul.f32 $1.270000000e+02, v24;
	v23 =	vmul.f32 $1.270000000e+02, v23;
	_ =	sdelay $0x1  }
0x44: {  	v25 =	vsub.f32 v24, v23;
	v23 =	vadd.f32 v23, v24;
	_ =	sdelay $0x1  }
0x45: {  	v61 =	vmax.f32 v25, $0.0e+00;
	v23 =	vmin.f32 v23, $1.270000000e+02  }
0x46: {  	v24 =	vtrunc.f32 v61;
	v23 =	vtrunc.f32 v23  }
0x47: {  	vm0 =	vle.f32 v0, v23;
	vm1 =	vge.f32 v1, v24  }
0x48: {  	vm0 =	vmand vm0, vm1  }
0x49: {  	v23 =	vsel vm0, $0x1, v10  }
0x4a: {  	(xrf0) =	vadd.scan.msk.s32 $0xffff, v23;
	_ =	sdelay $0x2  }
0x4b: {  	v23 =	vmov s21  }
0x4c: {  	v23 =	vadd.s32 $0xFFFFFFFF, v23  }
0x4d: {  	v23 =	vbroadcast v23, $0x0  }
0x4e: {  	v62, _, _ =	vpop (xrf0)  }
0x4f: {  	v23 =	vadd.s32 v62, v23;
	(v2sf) =	vpush v62, $0xF;
	_ =	sdelay $0x3  }
0x50: {  	v63 =	vor.u32 s21, v9  }
0x51: {  	s24 =	simm.s32 $0x7690;
	[tilespmem:v23+s15+$0x0] =	vst.idx.msk vm0, v63  }
0x52: {  	s22 =	simm.s32 $0x10;
	s25 =	simm.s32 $0x20;
	s23 =	simm.s32 $0x0;
	v23 =	vld [tilespmem:s24+$0x0]  }
.LBB2_4:
0x53: {  	p0 =	sne.s32 s25, $0x2710;
	s21 =	sadd.s32 $0x10, s21  }
0x54: {  	v24 =	vld [tilespmem:s21+$0x0];
	_ =	sdelay $0x2  }
0x55: {  	v23 =	vmul.f32 $3.000000000e+00, v23;
	_ =	sdelay $0x1  }
0x56: {  	v24 =	vmul.f32 $1.270000000e+02, v24;
	v23 =	vmul.f32 $1.270000000e+02, v23;
	_ =	sdelay $0x1  }
0x57: {  	v25 =	vsub.f32 v24, v23;
	v23 =	vadd.f32 v23, v24;
	s26 =	spop (v2sf)  }
0x58: {  	s23 =	sadd.s32 s23, s26  }
0x59: {  	v24 =	vmax.f32 v25, $0.0e+00;
	v23 =	vmin.f32 v23, $1.270000000e+02;
	v25 =	vmov s23  }
0x5a: {  	v24 =	vtrunc.f32 v24;
	v23 =	vtrunc.f32 v23;
	v25 =	vadd.s32 $0xFFFFFFFF, v25  }
0x5b: {  	vm0 =	vle.f32 v0, v23;
	vm1 =	vge.f32 v1, v24;
	v23 =	vbroadcast v25, $0x0  }
0x5c: {  	vm0 =	vmand vm0, vm1  }
0x5d: {  	v24 =	vsel vm0, $0x1, v10  }
0x5e: {  	(xrf0) =	vadd.scan.msk.s32 $0xffff, v24;
	_ =	sdelay $0x5  }
0x5f: {  	v24, _, _ =	vpop (xrf0)  }
0x60: {  	v23 =	vadd.s32 v24, v23;
	(v2sf) =	vpush v24, $0xF;
	_ =	sdelay $0x1  }
.Ltmp3:
0x61: {  	(pc) =	sbr.rel @p0 .LBB2_4-.Ltmp3, $4  }
0x62: {  	_ = 	snop  }
0x63: {  	v24 =	vor.u32 s22, v9;
	s22 =	smov.u32 s25  }
0x64: {  	s24 =	sadd.s32 $0x10, s24;
	[tilespmem:v23+s15+$0x0] =	vst.idx.msk vm0, v24  }
0x65: {  	s25 =	sadd.s32 $0x10, s25;
	v23 =	vld [tilespmem:s24+$0x0]  }
0x66: {  	s21 =	sadd.s32 $0x10, s21  }
0x67: {  	v24 =	vld [tilespmem:s21+$0x0];
	_ =	sdelay $0x2  }
0x68: {  	v23 =	vmul.f32 $3.000000000e+00, v23;
	_ =	sdelay $0x1  }
0x69: {  	v24 =	vmul.f32 $1.270000000e+02, v24;
	v23 =	vmul.f32 $1.270000000e+02, v23;
	_ =	sdelay $0x1  }
0x6a: {  	v25 =	vsub.f32 v24, v23;
	v23 =	vadd.f32 v23, v24;
	_ =	sdelay $0x1  }
0x6b: {  	v60 =	vmax.f32 v25, $0.0e+00;
	v23 =	vmin.f32 v23, $1.270000000e+02  }
0x6c: {  	v24 =	vtrunc.f32 v60;
	v23 =	vtrunc.f32 v23  }
0x6d: {  	vm0 =	vle.f32 v0, v23;
	vm1 =	vge.f32 v1, v24  }
0x6e: {  	vm0 =	vmand vm0, vm1  }
0x6f: {  	v23 =	vsel vm0, $0x1, v10  }
0x70: {  	(xrf0) =	vadd.scan.msk.s32 $0xffff, v23;
	_ =	sdelay $0x5  }
0x71: {  	v23, _, _ =	vpop (xrf0)  }
0x72: {  	(v2sf) =	vpush v23, $0xF;
	_ =	sdelay $0x9  }
0x73: {  	s30 =	spop (v2sf)  }
0x74: {  	s21 =	sadd.s32 s23, s30  }
0x75: {  	v61 =	vmov s21  }
0x76: {  	v24 =	vadd.s32 $0xFFFFFFFF, v61  }
0x77: {  	v24 =	vbroadcast v24, $0x0  }
0x78: {  	s31 =	spop (v2sf)  }
0x79: {  	v23 =	vadd.s32 v23, v24;
	s21 =	sadd.s32 s21, s31  }
0x7a: {  	v62 =	vmov s21  }
.Ltmp4:
0x7b: {  	_ = 	snop;
	(pc) =	sbr.rel .LBB2_6-.Ltmp4, $4  }
0x7c: {  	_ = 	snop  }
0x7d: {  	v63 =	vor.u32 s22, v9  }
0x7e: {  	[tilespmem:v23+s15+$0x0] =	vst.idx.msk vm0, v63  }
0x7f: {  	s22 =	simm.s32 $0x0;
	s23 =	simm.s32 $0x0;
	[tilespmem:v62+s15+$0x0] =	vst.idx.msk $0x1, v11  }
.LBB2_10:
0x80: {  	s23 =	sadd.s32 $0x1, s23  }
0x81: {  	p0 =	sne.s32 s23, $0x272  }
.Ltmp5:
0x82: {  	_ = 	snop;
	(pc) =	sbr.rel @!p0 .LBB2_11-.Ltmp5, $2  }
0x83: {  	_ =	sdelay $0x2  }
0x84: {  	s22 =	sadd.s32 $0x10, s22  }
.LBB2_6:
0x85: {  	s24 =	sshll.u32 s23, $0x4  }
0x86: {  	p0 =	sge.s32 s24, s21  }
.Ltmp6:
0x87: {  	_ = 	snop;
	(pc) =	sbr.rel @p0 .LBB2_10-.Ltmp6, $4  }
.Ltmp7:
0x88: {  	_ = 	snop;
	(pc) =	sbr.rel @!p0 .LBB2_7-.Ltmp7, $4  }
0x89: {  	_ = 	snop  }
0x8a: {  	_ = 	snop  }
0x8b: {  	s24 =	simm.s32 $0x0  }
0x8c: {  	_ = 	snop  }
.LBB2_9:
0x8d: {  	s24 =	sadd.s32 $0x2, s24  }
0x8e: {  	p0 =	sne.s32 s24, $0x10  }
.Ltmp8:
0x8f: {  	_ = 	snop;
	(pc) =	sbr.rel @!p0 .LBB2_10-.Ltmp8, $1  }
0x90: {  	_ =	sdelay $0x3  }
.LBB2_7:
0x91: {  	s25 =	sadd.s32 s24, s22  }
0x92: {  	p0 =	sge.s32 s25, s21  }
.Ltmp9:
0x93: {  	_ = 	snop;
	(pc) =	sbr.rel @p0 .LBB2_9-.Ltmp9, $1  }
0x94: {  	_ =	sdelay $0x3  }
0x95: {  	v23 =	vmov s25  }
0x96: {  	v23 =	vand.u32 $0xFFFFFFFE, v23  }
0x97: {  	v23 =	vbroadcast v23, $0x0;
	_ =	sdelay $0x5  }
0x98: {  	v27 =	vld.idx.msk [tilespmem:v23+s15+$0x0], $0xffff;
	_ =	sdelay $0x7  }
0x99: {  	v23 =	vld.idx.msk [tilespmem:v27+s13+$0x0], $0xffff;
	_ =	sdelay $0x1  }
0x9a: {  	v24 =	vld.idx.msk [tilespmem:v27+s12+$0x0], $0xffff  }
0x9b: {  	v30 =	vld.idx.msk [tilespmem:v27+s11+$0x0], $0xffff;
	_ =	sdelay $0x1  }
0x9c: {  	v25 =	vmul.f32 $3.000000000e+00, v23;
	_ =	sdelay $0x1  }
0x9d: {  	v29 =	vmul.f32 $1.270000000e+02, v24;
	v28 =	vmul.f32 $1.270000000e+02, v25  }
0x9e: {  	v23 =	vmul.f32 v23, v23;
	v31 =	vmul.f32 $1.270000000e+02, v30  }
0x9f: {  	v26 =	vld.idx.msk [tilespmem:v27+s3+$0x0], $0xffff;
	v25 =	vsub.f32 v29, v28  }
0xa0: {  	(erf) = vrcp.f32 v23;
	v23 =	vsub.f32 v31, v28  }
0xa1: {  	v25 =	vmax.f32 v25, $0.0e+00  }
0xa2: {  	v23 =	vmax.f32 v23, $0.0e+00;
	v25 =	vtrunc.f32 v25  }
0xa3: {  	v23 =	vtrunc.f32 v23;
	v25 =	vcvt.f32.s32 v25  }
0xa4: {  	v35 =	vmul.f32 $1.270000000e+02, v26;
	v23 =	vcvt.f32.s32 v23  }
0xa5: {  	v31 =	vadd.f32 v28, v31;
	v32 =	vcvt.s32.f32 v25  }
0xa6: {  	v62 =	vsub.f32 v35, v28;
	v40 =	vadd.f32 v28, v35;
	v37 =	vcvt.s32.f32 v23  }
0xa7: {  	v28 =	vadd.f32 v28, v29;
	v31 =	vmin.f32 v31, $1.270000000e+02;
	v34 =	vmin.f32 v32, $1.170000000e+02  }
0xa8: {  	v31 =	vtrunc.f32 v31;
	v36 =	vmin.f32 v37, $1.170000000e+02;
	v33 =	vadd.f32 v12, v34  }
0xa9: {  	v31 =	vcvt.f32.s32 v31;
	v63 =	vpop (erf);
	v38 =	vmul.f32 $7.874015710e-03, v36  }
0xaa: {  	v28 =	vmin.f32 v28, $1.270000000e+02;
	v25 =	vmul.f32 $5.000000000e-01, v63;
	v61 =	vmul.f32 $7.874015710e-03, v33  }
0xab: {  	v42 =	vmin.f32 v40, $1.270000000e+02;
	v28 =	vtrunc.f32 v28;
	v39 =	vsub.f32 v38, v30  }
0xac: {  	v31 =	vcvt.s32.f32 v31;
	v35 =	vsub.f32 $0.0e+00, v25;
	v23 =	vsub.f32 v61, v24  }
0xad: {  	v24 =	vmax.f32 v62, $0.0e+00;
	v38 =	vadd.f32 $0.0e+00, v39;
	v44 =	vadd.f32 $7.874015710e-03, v39  }
0xae: {  	v40 =	vadd.f32 $1.574803140e-02, v39;
	v46 =	vadd.f32 $2.362204720e-02, v39;
	v24 =	vtrunc.f32 v24  }
0xaf: {  	v51 =	vadd.f32 $3.149606290e-02, v39;
	v23 =	vmul.f32 v23, v23;
	v24 =	vcvt.f32.s32 v24  }
0xb0: {  	v57 =	vadd.f32 $4.724409430e-02, v39;
	v38 =	vmul.f32 v38, v38;
	v30 =	vmul.f32 v44, v44  }
0xb1: {  	v62 =	vadd.f32 $5.511811000e-02, v39;
	v40 =	vmul.f32 v40, v40;
	v48 =	vmul.f32 v46, v46  }
0xb2: {  	vm0 =	vge.f32 v33, v32;
	v53 =	vmul.f32 v51, v51;
	v60 =	vmul.f32 v57, v57  }
0xb3: {  	vm1 =	vle.f32 v33, v28;
	v33 =	vmul.f32 v62, v62;
	v38 =	vmul.f32 v38, v35  }
0xb4: {  	v23 =	vsub.f32 $0.0e+00, v23;
	v30 =	vmul.f32 v30, v35;
	v45 =	vmul.f32 v40, v35  }
0xb5: {  	v50 =	vmul.f32 v48, v35;
	v54 =	vmul.f32 v53, v35  }
0xb6: {  	v63 =	vmul.f32 v60, v35;
	v41 =	vmul.f32 v23, v25  }
0xb7: {  	v23 =	vcvt.s32.f32 v24;
	v24 =	vtrunc.f32 v42  }
0xb8: {  	v38 =	vmul.f32 $1.442695020e+00, v38;
	v30 =	vmul.f32 $1.442695020e+00, v30  }
0xb9: {  	v47 =	vmul.f32 $1.442695020e+00, v45;
	v29 =	vmul.f32 $1.442695020e+00, v50  }
0xba: {  	v46 =	vadd.f32 $6.299212570e-02, v39;
	v59 =	vmul.f32 $1.442695020e+00, v54;
	v40 =	vmul.f32 $1.442695020e+00, v63  }
0xbb: {  	v55 =	vadd.f32 $3.937007860e-02, v39;
	v45 =	vmul.f32 v33, v35;
	v43 =	vmul.f32 $1.442695020e+00, v41  }
0xbc: {  	v33 =	vmul.f32 v46, v46;
	v24 =	vcvt.f32.s32 v24  }
0xbd: {  	v41 =	vmul.f32 v55, v55;
	(erf) = vpow2.f32 v43  }
0xbe: {  	v33 =	vmul.f32 v33, v35;
	(erf) = vpow2.f32 v38  }
0xbf: {  	v48 =	vsub.f32 v2, v26;
	v24 =	vcvt.s32.f32 v24;
	(erf) = vpow2.f32 v30  }
0xc0: {  	vm0 =	vmand vm0, vm1;
	v61 =	vmul.f32 v41, v35;
	(erf) = vpow2.f32 v47  }
0xc1: {  	v41 =	vmul.f32 v48, v48;
	v38 =	vsub.f32 v37, v36;
	v37 =	vsub.f32 v31, v36  }
0xc2: {  	v55 =	vsub.f32 v5, v26;
	v33 =	vmul.f32 $1.442695020e+00, v33;
	v32 =	vmul.f32 $1.442695020e+00, v61  }
0xc3: {  	v41 =	vsub.f32 $0.0e+00, v41;
	vm2 =	vle.f32 v38, $0.0e+00;
	vm3 =	vge.f32 v37, $0.0e+00  }
0xc4: {  	vm5 =	vle.f32 v38, $1.000000000e+00;
	vm6 =	vge.f32 v37, $1.000000000e+00;
	vm7 =	vle.f32 v38, $2.000000000e+00  }
0xc5: {  	vm8 =	vge.f32 v37, $2.000000000e+00;
	vm9 =	vle.f32 v38, $3.000000000e+00;
	vm10 =	vge.f32 v37, $3.000000000e+00  }
0xc6: {  	vm11 =	vle.f32 v38, $4.000000000e+00;
	v47 =	vadd.f32 $7.086614520e-02, v39;
	(erf) = vpow2.f32 v29;
	v49 =	vpop (erf)  }
0xc7: {  	v39 =	vadd.f32 $7.874015710e-02, v39;
	vm12 =	vge.f32 v37, $4.000000000e+00;
	(erf) = vpow2.f32 v59;
	v52 =	vpop (erf)  }
0xc8: {  	v27 =	vld.idx.msk [tilespmem:v27+s14+$0x0], $0xffff;
	vm13 =	vle.f32 v38, $5.000000000e+00;
	vm14 =	vge.f32 v37, $5.000000000e+00;
	vm15 =	vle.f32 v38, $6.000000000e+00;
	v56 =	vpop (erf)  }
0xc9: {  	vm4 =	vmand vm2, vm3;
	vm1 =	vmand vm5, vm6;
	v58 =	vpop (erf);
	(erf) = vpow2.f32 v32  }
0xca: {  	vm2 =	vmand vm7, vm8;
	(erf) = vpow2.f32 v40;
	v40 =	vmul.f32 v47, v47  }
0xcb: {  	v50 =	vmul.f32 v25, v41;
	vm6 =	vge.f32 v37, $6.000000000e+00;
	v39 =	vmul.f32 v39, v39  }
0xcc: {  	vm8 =	vle.f32 v38, $7.000000000e+00;
	v32 =	vmul.f32 $1.442695020e+00, v45;
	v40 =	vmul.f32 v40, v35  }
0xcd: {  	vm7 =	vmand vm15, vm6;
	v27 =	vmul.f32 v49, v27;
	v35 =	vmul.f32 v39, v35  }
0xce: {  	vm15 =	vle.f32 v0, v24;
	(erf) = vpow2.f32 v32;
	v49 =	vmul.f32 $1.442695020e+00, v40  }
0xcf: {  	v28 =	vnsel vm4, $0x0, v52;
	v44 =	vpop (erf);
	(erf) = vpow2.f32 v33;
	v51 =	vmul.f32 $1.442695020e+00, v35  }
0xd0: {  	v52 =	vmul.f32 $1.442695020e+00, v50;
	vm4 =	vle.f32 v38, $9.000000000e+00;
	v42 =	vpop (erf);
	(erf) = vpow2.f32 v49  }
0xd1: {  	v30 =	vnsel vm1, $0x0, v56;
	v56 =	vmul.f32 $1.280000000e+02, v36;
	(erf) = vpow2.f32 v51  }
0xd2: {  	vm1 =	vmand vm9, vm10;
	vm9 =	vge.f32 v37, $7.000000000e+00;
	v53 =	vpop (erf);
	(erf) = vpow2.f32 v52  }
0xd3: {  	v29 =	vnsel vm2, $0x0, v58;
	vm10 =	vmand vm8, vm9;
	v34 =	vadd.f32 v56, v34  }
0xd4: {  	vm9 =	vle.f32 v38, $1.000000000e+01;
	v31 =	vnsel vm1, $0x0, v44;
	v39 =	vmul.f32 v55, v55  }
0xd5: {  	vm1 =	vmand vm11, vm12;
	vm11 =	vle.f32 v38, $8.000000000e+00;
	v34 =	vtrunc.f32 v34  }
0xd6: {  	vm12 =	vge.f32 v37, $8.000000000e+00;
	v39 =	vsub.f32 $0.0e+00, v39;
	v60 =	vcvt.f32.s32 v34;
	v54 =	vpop (erf)  }
0xd7: {  	v32 =	vnsel vm1, $0x0, v42;
	vm1 =	vmand vm13, vm14;
	vm13 =	vmand vm11, vm12;
	v57 =	vpop (erf)  }
0xd8: {  	vm14 =	vge.f32 v0, v23;
	v39 =	vmul.f32 v25, v39;
	v43 =	vadd.s32 v9, v60;
	v58 =	vpop (erf)  }
0xd9: {  	v44 =	vadd.s32 v13, v60;
	v46 =	vadd.s32 v14, v60;
	vm2 =	vmand vm14, vm15;
	v59 =	vpop (erf)  }
0xda: {  	v47 =	vadd.s32 v15, v60;
	v48 =	vadd.s32 v16, v60;
	vm8 =	vmand vm2, vm0;
	v40 =	vpop (erf)  }
0xdb: {  	v49 =	vadd.s32 v17, v60;
	vm11 =	vle.f32 v3, v24;
	v39 =	vmul.f32 $1.442695020e+00, v39;
	v45 =	vpop (erf)  }
0xdc: {  	v38 =	vadd.s32 v21, v60;
	vm12 =	vge.f32 v37, $1.000000000e+01;
	v45 =	vmul.f32 v27, v45  }
0xdd: {  	v42 =	vadd.s32 v22, v60;
	v51 =	vsub.f32 v6, v26;
	(erf) = vpow2.f32 v39  }
0xde: {  	v52 =	vadd.s32 v19, v60;
	v33 =	vnsel vm1, $0x0, v53;
	v50 =	vmul.f32 v45, v28  }
0xdf: {  	v53 =	vadd.s32 v20, v60;
	v35 =	vnsel vm7, $0x0, v54;
	v54 =	vmul.f32 v45, v30  }
0xe0: {  	v51 =	vmul.f32 v51, v51;
	vm7 =	vge.f32 v37, $9.000000000e+00;
	v61 =	vmul.f32 v45, v29;
	[tilespmem:v43+s16+$0x0] =	vst.idx.add.f32.msk vm8, v50  }
0xe1: {  	v39 =	vadd.s32 v18, v60;
	v36 =	vnsel vm10, $0x0, v57;
	v62 =	vmul.f32 v45, v31;
	[tilespmem:v44+s16+$0x0] =	vst.idx.add.f32.msk vm8, v54  }
0xe2: {  	vm3 =	vmand vm4, vm7;
	v56 =	vsub.f32 $0.0e+00, v51;
	v63 =	vmul.f32 v45, v32;
	[tilespmem:v46+s16+$0x0] =	vst.idx.add.f32.msk vm8, v61  }
0xe3: {  	vm10 =	vge.f32 v3, v23;
	v34 =	vnsel vm13, $0x0, v58;
	v57 =	vmul.f32 v45, v33;
	[tilespmem:v47+s16+$0x0] =	vst.idx.add.f32.msk vm8, v62  }
0xe4: {  	vm2 =	vmand vm10, vm11;
	v58 =	vmul.f32 v45, v35;
	v50 =	vmul.f32 v25, v56;
	[tilespmem:v48+s16+$0x0] =	vst.idx.add.f32.msk vm8, v63  }
0xe5: {  	vm2 =	vmand vm2, vm0;
	v41 =	vnsel vm3, $0x0, v59;
	v59 =	vmul.f32 v45, v36;
	[tilespmem:v49+s16+$0x0] =	vst.idx.add.f32.msk vm8, v57  }
0xe6: {  	vm3 =	vmand vm9, vm12;
	v60 =	vmul.f32 v45, v34;
	v61 =	vpop (erf);
	v50 =	vmul.f32 $1.442695020e+00, v50;
	[tilespmem:v39+s16+$0x0] =	vst.idx.add.f32.msk vm8, v58  }
0xe7: {  	v40 =	vnsel vm3, $0x0, v40;
	v62 =	vmul.f32 v45, v41;
	v54 =	vmul.f32 v27, v61;
	[tilespmem:v52+s16+$0x0] =	vst.idx.add.f32.msk vm8, v59  }
0xe8: {  	v63 =	vmul.f32 v45, v40;
	(erf) = vpow2.f32 v50;
	[tilespmem:v53+s16+$0x0] =	vst.idx.add.f32.msk vm8, v60  }
0xe9: {  	v26 =	vsub.f32 v7, v26;
	v50 =	vmul.f32 v54, v28;
	[tilespmem:v38+s16+$0x0] =	vst.idx.add.f32.msk vm8, v62  }
0xea: {  	v51 =	vmul.f32 v54, v30;
	[tilespmem:v42+s16+$0x0] =	vst.idx.add.f32.msk vm8, v63  }
0xeb: {  	v26 =	vmul.f32 v26, v26;
	v55 =	vmul.f32 v54, v29;
	[tilespmem:v43+s17+$0x0] =	vst.idx.add.f32.msk vm2, v50  }
0xec: {  	v56 =	vmul.f32 v54, v31;
	[tilespmem:v44+s17+$0x0] =	vst.idx.add.f32.msk vm2, v51  }
0xed: {  	vm14 =	vle.f32 v4, v24;
	v26 =	vsub.f32 $0.0e+00, v26;
	v57 =	vmul.f32 v54, v32;
	[tilespmem:v46+s17+$0x0] =	vst.idx.add.f32.msk vm2, v55  }
0xee: {  	vm13 =	vge.f32 v4, v23;
	v58 =	vmul.f32 v54, v33;
	[tilespmem:v47+s17+$0x0] =	vst.idx.add.f32.msk vm2, v56  }
0xef: {  	vm1 =	vmand vm13, vm14;
	v25 =	vmul.f32 v25, v26;
	v59 =	vmul.f32 v54, v35;
	[tilespmem:v48+s17+$0x0] =	vst.idx.add.f32.msk vm2, v57  }
0xf0: {  	vm1 =	vmand vm1, vm0;
	v60 =	vmul.f32 v54, v36;
	[tilespmem:v49+s17+$0x0] =	vst.idx.add.f32.msk vm2, v58  }
0xf1: {  	v25 =	vmul.f32 $1.442695020e+00, v25;
	v61 =	vmul.f32 v54, v34;
	v63 =	vpop (erf);
	[tilespmem:v39+s17+$0x0] =	vst.idx.add.f32.msk vm2, v59  }
0xf2: {  	v62 =	vmul.f32 v54, v41;
	v51 =	vmul.f32 v27, v63;
	[tilespmem:v52+s17+$0x0] =	vst.idx.add.f32.msk vm2, v60  }
0xf3: {  	(erf) = vpow2.f32 v25;
	v54 =	vmul.f32 v54, v40;
	[tilespmem:v53+s17+$0x0] =	vst.idx.add.f32.msk vm2, v61  }
0xf4: {  	v55 =	vmul.f32 v51, v28;
	[tilespmem:v38+s17+$0x0] =	vst.idx.add.f32.msk vm2, v62  }
0xf5: {  	v56 =	vmul.f32 v51, v30;
	[tilespmem:v42+s17+$0x0] =	vst.idx.add.f32.msk vm2, v54  }
0xf6: {  	v57 =	vmul.f32 v51, v29;
	[tilespmem:v43+s18+$0x0] =	vst.idx.add.f32.msk vm1, v55  }
0xf7: {  	v58 =	vmul.f32 v51, v31;
	[tilespmem:v44+s18+$0x0] =	vst.idx.add.f32.msk vm1, v56  }
0xf8: {  	vm6 =	vle.f32 v1, v24;
	v59 =	vmul.f32 v51, v32;
	[tilespmem:v46+s18+$0x0] =	vst.idx.add.f32.msk vm1, v57  }
0xf9: {  	vm15 =	vge.f32 v1, v23;
	v60 =	vmul.f32 v51, v33;
	[tilespmem:v47+s18+$0x0] =	vst.idx.add.f32.msk vm1, v58  }
0xfa: {  	v23 =	vmul.f32 v51, v35;
	vm2 =	vmand vm15, vm6;
	[tilespmem:v48+s18+$0x0] =	vst.idx.add.f32.msk vm1, v59  }
0xfb: {  	v61 =	vmul.f32 v51, v36;
	vm0 =	vmand vm2, vm0;
	[tilespmem:v49+s18+$0x0] =	vst.idx.add.f32.msk vm1, v60  }
0xfc: {  	v62 =	vpop (erf);
	[tilespmem:v39+s18+$0x0] =	vst.idx.add.f32.msk vm1, v23;
	v23 =	vmul.f32 v51, v34  }
0xfd: {  	v63 =	vmul.f32 v51, v41;
	v25 =	vmul.f32 v27, v62;
	[tilespmem:v52+s18+$0x0] =	vst.idx.add.f32.msk vm1, v61  }
0xfe: {  	[tilespmem:v53+s18+$0x0] =	vst.idx.add.f32.msk vm1, v23;
	v23 =	vmul.f32 v51, v40  }
0xff: {  	v37 =	vmul.f32 v25, v28;
	[tilespmem:v38+s18+$0x0] =	vst.idx.add.f32.msk vm1, v63  }
0x100: {  	[tilespmem:v42+s18+$0x0] =	vst.idx.add.f32.msk vm1, v23;
	v23 =	vmul.f32 v25, v30  }
0x101: {  	v45 =	vmul.f32 v25, v29;
	[tilespmem:v43+s19+$0x0] =	vst.idx.add.f32.msk vm0, v37  }
0x102: {  	[tilespmem:v44+s19+$0x0] =	vst.idx.add.f32.msk vm0, v23;
	v23 =	vmul.f32 v25, v31  }
0x103: {  	[tilespmem:v46+s19+$0x0] =	vst.idx.add.f32.msk vm0, v45;
	v46 =	vmul.f32 v25, v32  }
0x104: {  	[tilespmem:v47+s19+$0x0] =	vst.idx.add.f32.msk vm0, v23;
	v23 =	vmul.f32 v25, v33  }
0x105: {  	[tilespmem:v48+s19+$0x0] =	vst.idx.add.f32.msk vm0, v46;
	v48 =	vmul.f32 v25, v35  }
0x106: {  	s31 =	sadd.s32 $0x1, s25;
	[tilespmem:v49+s19+$0x0] =	vst.idx.add.f32.msk vm0, v23;
	v23 =	vmul.f32 v25, v36  }
0x107: {  	v50 =	vmov s31;
	v49 =	vmul.f32 v25, v34;
	[tilespmem:v39+s19+$0x0] =	vst.idx.add.f32.msk vm0, v48  }
0x108: {  	[tilespmem:v52+s19+$0x0] =	vst.idx.add.f32.msk vm0, v23;
	v23 =	vmul.f32 v25, v41  }
0x109: {  	v51 =	vmul.f32 v25, v40;
	[tilespmem:v53+s19+$0x0] =	vst.idx.add.f32.msk vm0, v49  }
0x10a: {  	[tilespmem:v38+s19+$0x0] =	vst.idx.add.f32.msk vm0, v23  }
0x10b: {  	[tilespmem:v42+s19+$0x0] =	vst.idx.add.f32.msk vm0, v51  }
0x10c: {  	v52 =	vld.idx.msk [tilespmem:v50+s15+$0x0], $0xffff;
	_ =	sdelay $0x7  }
0x10d: {  	v23 =	vld.idx.msk [tilespmem:v52+s13+$0x0], $0xffff  }
0x10e: {  	v24 =	vld.idx.msk [tilespmem:v52+s12+$0x0], $0xffff  }
0x10f: {  	v56 =	vld.idx.msk [tilespmem:v52+s11+$0x0], $0xffff;
	_ =	sdelay $0x2  }
0x110: {  	v53 =	vmul.f32 $3.000000000e+00, v23  }
0x111: {  	v55 =	vmul.f32 $1.270000000e+02, v24;
	v23 =	vmul.f32 v23, v23  }
0x112: {  	v57 =	vmul.f32 $1.270000000e+02, v56;
	v54 =	vmul.f32 $1.270000000e+02, v53;
	_ =	sdelay $0x1  }
0x113: {  	v26 =	vld.idx.msk [tilespmem:v52+s3+$0x0], $0xffff;
	(erf) = vrcp.f32 v23;
	v25 =	vsub.f32 v55, v54;
	v23 =	vsub.f32 v57, v54;
	_ =	sdelay $0x1  }
0x114: {  	v25 =	vmax.f32 v25, $0.0e+00;
	v23 =	vmax.f32 v23, $0.0e+00  }
0x115: {  	v25 =	vtrunc.f32 v25;
	v23 =	vtrunc.f32 v23  }
0x116: {  	v25 =	vcvt.f32.s32 v25;
	v23 =	vcvt.f32.s32 v23  }
0x117: {  	v61 =	vmul.f32 $1.270000000e+02, v26  }
0x118: {  	v31 =	vadd.f32 v54, v57;
	v58 =	vcvt.s32.f32 v25;
	v62 =	vcvt.s32.f32 v23  }
0x119: {  	v63 =	vsub.f32 v61, v54;
	v28 =	vadd.f32 v54, v55  }
0x11a: {  	v31 =	vmin.f32 v31, $1.270000000e+02;
	v34 =	vmin.f32 v58, $1.170000000e+02;
	v36 =	vmin.f32 v62, $1.170000000e+02  }
0x11b: {  	v31 =	vtrunc.f32 v31;
	v40 =	vpop (erf);
	v59 =	vadd.f32 v12, v34;
	v41 =	vmul.f32 $7.874015710e-03, v36  }
0x11c: {  	v42 =	vadd.f32 v54, v61;
	v31 =	vcvt.f32.s32 v31;
	v25 =	vmul.f32 $5.000000000e-01, v40  }
0x11d: {  	v28 =	vmin.f32 v28, $1.270000000e+02;
	v60 =	vmul.f32 $7.874015710e-03, v59;
	v39 =	vsub.f32 v41, v56  }
0x11e: {  	v28 =	vtrunc.f32 v28;
	v31 =	vcvt.s32.f32 v31;
	v35 =	vsub.f32 $0.0e+00, v25  }
0x11f: {  	vm7 =	vge.f32 v59, v58;
	v23 =	vsub.f32 v60, v24;
	v38 =	vadd.f32 $0.0e+00, v39  }
0x120: {  	v24 =	vmax.f32 v63, $0.0e+00;
	v46 =	vadd.f32 $7.874015710e-03, v39;
	v47 =	vadd.f32 $1.574803140e-02, v39  }
0x121: {  	v49 =	vadd.f32 $2.362204720e-02, v39;
	v24 =	vtrunc.f32 v24;
	v23 =	vmul.f32 v23, v23  }
0x122: {  	v54 =	vadd.f32 $3.149606290e-02, v39;
	v24 =	vcvt.f32.s32 v24;
	v38 =	vmul.f32 v38, v38  }
0x123: {  	v58 =	vadd.f32 $3.937007860e-02, v39;
	v30 =	vmul.f32 v46, v46;
	v40 =	vmul.f32 v47, v47  }
0x124: {  	v51 =	vmul.f32 v49, v49;
	v56 =	vmul.f32 v54, v54  }
0x125: {  	v63 =	vmul.f32 v58, v58;
	v38 =	vmul.f32 v38, v35  }
0x126: {  	v23 =	vsub.f32 $0.0e+00, v23;
	v30 =	vmul.f32 v30, v35;
	v48 =	vmul.f32 v40, v35  }
0x127: {  	v53 =	vmul.f32 v51, v35;
	v57 =	vmul.f32 v56, v35  }
0x128: {  	v44 =	vmin.f32 v42, $1.270000000e+02;
	v43 =	vmul.f32 v23, v25;
	v23 =	vcvt.s32.f32 v24  }
0x129: {  	v37 =	vsub.f32 v31, v36;
	v24 =	vtrunc.f32 v44;
	v38 =	vmul.f32 $1.442695020e+00, v38  }
0x12a: {  	vm8 =	vle.f32 v59, v28;
	v30 =	vmul.f32 $1.442695020e+00, v30;
	v45 =	vmul.f32 $1.442695020e+00, v43  }
0x12b: {  	v51 =	vsub.f32 v2, v26;
	v50 =	vmul.f32 $1.442695020e+00, v48;
	v29 =	vmul.f32 $1.442695020e+00, v53  }
0x12c: {  	vm10 =	vge.f32 v37, $0.0e+00;
	v44 =	vmul.f32 v63, v35;
	(erf) = vpow2.f32 v45  }
0x12d: {  	v60 =	vadd.f32 $4.724409430e-02, v39;
	v41 =	vmul.f32 v51, v51;
	(erf) = vpow2.f32 v38  }
0x12e: {  	vm13 =	vge.f32 v37, $1.000000000e+00;
	v24 =	vcvt.f32.s32 v24;
	(erf) = vpow2.f32 v30  }
0x12f: {  	vm15 =	vge.f32 v37, $2.000000000e+00;
	v43 =	vmul.f32 v60, v60;
	(erf) = vpow2.f32 v50  }
0x130: {  	v32 =	vmul.f32 $1.442695020e+00, v44;
	v41 =	vsub.f32 $0.0e+00, v41;
	v60 =	vmul.f32 $1.280000000e+02, v36  }
0x131: {  	vm0 =	vmand vm7, vm8;
	v24 =	vcvt.s32.f32 v24;
	(erf) = vpow2.f32 v29  }
0x132: {  	v45 =	vadd.f32 $5.511811000e-02, v39;
	v46 =	vmul.f32 v43, v35;
	v54 =	vmul.f32 v25, v41  }
0x133: {  	v34 =	vadd.f32 v60, v34;
	v38 =	vsub.f32 v62, v36;
	v62 =	vmul.f32 $1.442695020e+00, v57  }
0x134: {  	vm7 =	vge.f32 v37, $3.000000000e+00;
	v33 =	vmul.f32 v45, v45;
	v40 =	vmul.f32 $1.442695020e+00, v46  }
0x135: {  	v27 =	vld.idx.msk [tilespmem:v52+s14+$0x0], $0xffff;
	v49 =	vadd.f32 $6.299212570e-02, v39;
	v56 =	vmul.f32 $1.442695020e+00, v54;
	v34 =	vtrunc.f32 v34;
	v52 =	vpop (erf)  }
0x136: {  	vm9 =	vle.f32 v38, $0.0e+00;
	vm12 =	vle.f32 v38, $1.000000000e+00;
	vm14 =	vle.f32 v38, $2.000000000e+00;
	v55 =	vpop (erf)  }
0x137: {  	vm6 =	vle.f32 v38, $3.000000000e+00;
	vm8 =	vle.f32 v38, $4.000000000e+00;
	v50 =	vadd.f32 $7.086614520e-02, v39;
	v59 =	vpop (erf)  }
0x138: {  	v39 =	vadd.f32 $7.874015710e-02, v39;
	v42 =	vcvt.f32.s32 v34;
	v61 =	vpop (erf);
	(erf) = vpow2.f32 v62  }
0x139: {  	vm11 =	vmand vm9, vm10;
	vm1 =	vmand vm12, vm13;
	v48 =	vmul.f32 v33, v35  }
0x13a: {  	vm2 =	vmand vm14, vm15;
	v33 =	vmul.f32 v49, v49;
	v47 =	vpop (erf);
	(erf) = vpow2.f32 v32  }
0x13b: {  	vm9 =	vge.f32 v37, $4.000000000e+00;
	(erf) = vpow2.f32 v40;
	v40 =	vmul.f32 v50, v50  }
0x13c: {  	vm10 =	vle.f32 v38, $5.000000000e+00;
	v39 =	vmul.f32 v39, v39;
	v33 =	vmul.f32 v33, v35  }
0x13d: {  	vm12 =	vle.f32 v38, $6.000000000e+00;
	v32 =	vmul.f32 $1.442695020e+00, v48;
	v40 =	vmul.f32 v40, v35  }
0x13e: {  	vm13 =	vge.f32 v37, $6.000000000e+00;
	v33 =	vmul.f32 $1.442695020e+00, v33;
	v35 =	vmul.f32 v39, v35  }
0x13f: {  	vm15 =	vle.f32 v38, $7.000000000e+00;
	(erf) = vpow2.f32 v32;
	v53 =	vmul.f32 $1.442695020e+00, v40  }
0x140: {  	v28 =	vnsel vm11, $0x0, v55;
	(erf) = vpow2.f32 v33;
	v55 =	vmul.f32 $1.442695020e+00, v35  }
0x141: {  	vm14 =	vmand vm12, vm13;
	v27 =	vmul.f32 v52, v27;
	v52 =	vpop (erf);
	(erf) = vpow2.f32 v53  }
0x142: {  	vm12 =	vle.f32 v0, v24;
	vm13 =	vle.f32 v38, $9.000000000e+00;
	(erf) = vpow2.f32 v55  }
0x143: {  	v44 =	vadd.s32 v13, v42;
	v46 =	vadd.s32 v14, v42;
	v57 =	vpop (erf);
	(erf) = vpow2.f32 v56  }
0x144: {  	v49 =	vadd.s32 v17, v42;
	v30 =	vnsel vm1, $0x0, v59;
	v59 =	vsub.f32 v5, v26  }
0x145: {  	vm11 =	vge.f32 v37, $5.000000000e+00;
	vm1 =	vmand vm6, vm7;
	vm6 =	vge.f32 v37, $7.000000000e+00  }
0x146: {  	v29 =	vnsel vm2, $0x0, v61;
	vm7 =	vmand vm15, vm6;
	v39 =	vmul.f32 v59, v59  }
0x147: {  	v48 =	vadd.s32 v16, v42;
	v31 =	vnsel vm1, $0x0, v47;
	vm1 =	vmand vm8, vm9;
	v58 =	vpop (erf)  }
0x148: {  	vm8 =	vle.f32 v38, $8.000000000e+00;
	vm9 =	vge.f32 v37, $8.000000000e+00;
	v39 =	vsub.f32 $0.0e+00, v39;
	v61 =	vpop (erf)  }
0x149: {  	v32 =	vnsel vm1, $0x0, v52;
	vm1 =	vmand vm10, vm11;
	vm11 =	vge.f32 v0, v23;
	v62 =	vpop (erf)  }
0x14a: {  	v59 =	vsub.f32 v6, v26;
	v39 =	vmul.f32 v25, v39;
	vm2 =	vmand vm11, vm12;
	v63 =	vpop (erf)  }
0x14b: {  	v47 =	vadd.s32 v15, v42;
	v40 =	vadd.s32 v9, v42;
	vm15 =	vmand vm2, vm0;
	v43 =	vpop (erf)  }
0x14c: {  	v51 =	vmul.f32 v59, v59;
	v39 =	vmul.f32 $1.442695020e+00, v39;
	v33 =	vnsel vm1, $0x0, v57;
	v57 =	vpop (erf)  }
0x14d: {  	v53 =	vadd.s32 v20, v42;
	vm10 =	vmand vm8, vm9;
	v45 =	vmul.f32 v27, v57  }
0x14e: {  	v52 =	vadd.s32 v19, v42;
	vm8 =	vle.f32 v38, $1.000000000e+01;
	(erf) = vpow2.f32 v39  }
0x14f: {  	vm9 =	vge.f32 v3, v23;
	v35 =	vnsel vm14, $0x0, v58;
	v58 =	vmul.f32 v45, v28  }
0x150: {  	v38 =	vadd.s32 v21, v42;
	vm14 =	vge.f32 v37, $9.000000000e+00;
	v60 =	vmul.f32 v45, v30  }
0x151: {  	v39 =	vadd.s32 v18, v42;
	v36 =	vnsel vm7, $0x0, v61;
	v61 =	vmul.f32 v45, v29;
	[tilespmem:v40+s16+$0x0] =	vst.idx.add.f32.msk vm15, v58  }
0x152: {  	vm3 =	vmand vm13, vm14;
	v34 =	vnsel vm10, $0x0, v62;
	v62 =	vmul.f32 v45, v31;
	[tilespmem:v44+s16+$0x0] =	vst.idx.add.f32.msk vm15, v60  }
0x153: {  	v41 =	vnsel vm3, $0x0, v63;
	v57 =	vsub.f32 $0.0e+00, v51;
	v63 =	vmul.f32 v45, v32;
	[tilespmem:v46+s16+$0x0] =	vst.idx.add.f32.msk vm15, v61  }
0x154: {  	vm11 =	vge.f32 v37, $1.000000000e+01;
	vm10 =	vle.f32 v3, v24;
	v58 =	vmul.f32 v45, v33;
	[tilespmem:v47+s16+$0x0] =	vst.idx.add.f32.msk vm15, v62  }
0x155: {  	vm2 =	vmand vm9, vm10;
	v59 =	vmul.f32 v45, v35;
	v50 =	vmul.f32 v25, v57;
	[tilespmem:v48+s16+$0x0] =	vst.idx.add.f32.msk vm15, v63  }
0x156: {  	v42 =	vadd.s32 v22, v42;
	vm2 =	vmand vm2, vm0;
	v60 =	vmul.f32 v45, v36;
	[tilespmem:v49+s16+$0x0] =	vst.idx.add.f32.msk vm15, v58  }
0x157: {  	vm3 =	vmand vm8, vm11;
	v50 =	vmul.f32 $1.442695020e+00, v50;
	v61 =	vmul.f32 v45, v34;
	v62 =	vpop (erf);
	[tilespmem:v39+s16+$0x0] =	vst.idx.add.f32.msk vm15, v59  }
0x158: {  	v43 =	vnsel vm3, $0x0, v43;
	v63 =	vmul.f32 v45, v41;
	v54 =	vmul.f32 v27, v62;
	[tilespmem:v52+s16+$0x0] =	vst.idx.add.f32.msk vm15, v60  }
0x159: {  	v57 =	vmul.f32 v45, v43;
	(erf) = vpow2.f32 v50;
	[tilespmem:v53+s16+$0x0] =	vst.idx.add.f32.msk vm15, v61  }
0x15a: {  	v26 =	vsub.f32 v7, v26;
	v58 =	vmul.f32 v54, v28;
	[tilespmem:v38+s16+$0x0] =	vst.idx.add.f32.msk vm15, v63  }
0x15b: {  	v59 =	vmul.f32 v54, v30;
	[tilespmem:v42+s16+$0x0] =	vst.idx.add.f32.msk vm15, v57  }
0x15c: {  	v26 =	vmul.f32 v26, v26;
	v60 =	vmul.f32 v54, v29;
	[tilespmem:v40+s17+$0x0] =	vst.idx.add.f32.msk vm2, v58  }
0x15d: {  	v61 =	vmul.f32 v54, v31;
	[tilespmem:v44+s17+$0x0] =	vst.idx.add.f32.msk vm2, v59  }
0x15e: {  	v26 =	vsub.f32 $0.0e+00, v26;
	vm12 =	vge.f32 v4, v23;
	v62 =	vmul.f32 v54, v32;
	[tilespmem:v46+s17+$0x0] =	vst.idx.add.f32.msk vm2, v60  }
0x15f: {  	vm13 =	vle.f32 v4, v24;
	v63 =	vmul.f32 v54, v33;
	[tilespmem:v47+s17+$0x0] =	vst.idx.add.f32.msk vm2, v61  }
0x160: {  	vm1 =	vmand vm12, vm13;
	v25 =	vmul.f32 v25, v26;
	v55 =	vmul.f32 v54, v35;
	[tilespmem:v48+s17+$0x0] =	vst.idx.add.f32.msk vm2, v62  }
0x161: {  	vm1 =	vmand vm1, vm0;
	v56 =	vmul.f32 v54, v36;
	[tilespmem:v49+s17+$0x0] =	vst.idx.add.f32.msk vm2, v63  }
0x162: {  	v25 =	vmul.f32 $1.442695020e+00, v25;
	v57 =	vmul.f32 v54, v34;
	v59 =	vpop (erf);
	[tilespmem:v39+s17+$0x0] =	vst.idx.add.f32.msk vm2, v55  }
0x163: {  	v58 =	vmul.f32 v54, v41;
	v60 =	vmul.f32 v27, v59;
	[tilespmem:v52+s17+$0x0] =	vst.idx.add.f32.msk vm2, v56  }
0x164: {  	(erf) = vpow2.f32 v25;
	v61 =	vmul.f32 v54, v43;
	[tilespmem:v53+s17+$0x0] =	vst.idx.add.f32.msk vm2, v57  }
0x165: {  	v62 =	vmul.f32 v60, v28;
	[tilespmem:v38+s17+$0x0] =	vst.idx.add.f32.msk vm2, v58  }
0x166: {  	v63 =	vmul.f32 v60, v30;
	[tilespmem:v42+s17+$0x0] =	vst.idx.add.f32.msk vm2, v61  }
0x167: {  	v37 =	vmul.f32 v60, v29;
	[tilespmem:v40+s18+$0x0] =	vst.idx.add.f32.msk vm1, v62  }
0x168: {  	v50 =	vmul.f32 v60, v31;
	[tilespmem:v44+s18+$0x0] =	vst.idx.add.f32.msk vm1, v63  }
0x169: {  	vm14 =	vge.f32 v1, v23;
	v51 =	vmul.f32 v60, v32;
	[tilespmem:v46+s18+$0x0] =	vst.idx.add.f32.msk vm1, v37  }
0x16a: {  	vm15 =	vle.f32 v1, v24;
	v54 =	vmul.f32 v60, v33;
	[tilespmem:v47+s18+$0x0] =	vst.idx.add.f32.msk vm1, v50  }
0x16b: {  	v23 =	vmul.f32 v60, v35;
	vm2 =	vmand vm14, vm15;
	[tilespmem:v48+s18+$0x0] =	vst.idx.add.f32.msk vm1, v51  }
0x16c: {  	v55 =	vmul.f32 v60, v36;
	vm0 =	vmand vm2, vm0;
	[tilespmem:v49+s18+$0x0] =	vst.idx.add.f32.msk vm1, v54  }
0x16d: {  	v56 =	vpop (erf);
	[tilespmem:v39+s18+$0x0] =	vst.idx.add.f32.msk vm1, v23;
	v23 =	vmul.f32 v60, v34  }
0x16e: {  	v57 =	vmul.f32 v60, v41;
	v25 =	vmul.f32 v27, v56;
	[tilespmem:v52+s18+$0x0] =	vst.idx.add.f32.msk vm1, v55  }
0x16f: {  	[tilespmem:v53+s18+$0x0] =	vst.idx.add.f32.msk vm1, v23;
	v23 =	vmul.f32 v60, v43  }
0x170: {  	v58 =	vmul.f32 v25, v28;
	[tilespmem:v38+s18+$0x0] =	vst.idx.add.f32.msk vm1, v57  }
0x171: {  	[tilespmem:v42+s18+$0x0] =	vst.idx.add.f32.msk vm1, v23;
	v23 =	vmul.f32 v25, v30  }
0x172: {  	v59 =	vmul.f32 v25, v29;
	[tilespmem:v40+s19+$0x0] =	vst.idx.add.f32.msk vm0, v58  }
0x173: {  	[tilespmem:v44+s19+$0x0] =	vst.idx.add.f32.msk vm0, v23;
	v23 =	vmul.f32 v25, v31  }
0x174: {  	v60 =	vmul.f32 v25, v32;
	[tilespmem:v46+s19+$0x0] =	vst.idx.add.f32.msk vm0, v59  }
0x175: {  	[tilespmem:v47+s19+$0x0] =	vst.idx.add.f32.msk vm0, v23;
	v23 =	vmul.f32 v25, v33  }
0x176: {  	v61 =	vmul.f32 v25, v35;
	[tilespmem:v48+s19+$0x0] =	vst.idx.add.f32.msk vm0, v60  }
0x177: {  	[tilespmem:v49+s19+$0x0] =	vst.idx.add.f32.msk vm0, v23;
	v23 =	vmul.f32 v25, v36  }
.Ltmp10:
0x178: {  	v62 =	vmul.f32 v25, v34;
	[tilespmem:v39+s19+$0x0] =	vst.idx.add.f32.msk vm0, v61;
	(pc) =	sbr.rel .LBB2_9-.Ltmp10, $4  }
0x179: {  	[tilespmem:v52+s19+$0x0] =	vst.idx.add.f32.msk vm0, v23;
	v23 =	vmul.f32 v25, v41  }
0x17a: {  	v63 =	vmul.f32 v25, v43;
	[tilespmem:v53+s19+$0x0] =	vst.idx.add.f32.msk vm0, v62  }
0x17b: {  	[tilespmem:v38+s19+$0x0] =	vst.idx.add.f32.msk vm0, v23  }
0x17c: {  	[tilespmem:v42+s19+$0x0] =	vst.idx.add.f32.msk vm0, v63  }
.LBB2_12:
0x17d: {  	_ =	sfence.sel $0x180000  }
0x17e: {  	[bflag:$0x0] =	sbarrier.arrive $0xFFFF  }
0x17f: {  	p0 =	sne.s32 s0, $0x0;
	_ =	strace $0x90000047  }
0x180: {  	s0 =	sadd.s32 @!p0 $0x100000, s2;
	[bflag:$0x2] =	sbarrier.arrive $0xFFFF  }
0x181: {  	[sflag:s0] =	ssyncadd.tile.s32 @!p0 $0x1;
	_ =	shalt  }
.Lfunc_end2:
_tile_overlayer_lowered:
.L_overlay_start_2:
0x182: {  	(tag) =	ssettag $0x2  }
0x183: {  	s0 =	rddreg [dreg:$0x0];
	s2 =	stileid.u32  }
0x184: {  	s1 =	rddreg [dreg:$0x1];
	p0 =	sne.s32 s2, $0x0  }
0x185: {  	s3 =	rddreg [dreg:$0x2];
	[bflag:$0x3] =	sbarrier.arrive $0xFFFF;
	s2 =	simm.s32 @!p0 $0x1C01  }
0x186: {  	[timem:s3], [sflag:s2] =	dma.local @!p0 [hbm:s0], s1  }
0x187: {  	s0 =	simm.s32 @!p0 $0x1  }
0x188: {  	_ =	swait.ge @!p0 [sflag:s0], s1  }
0x189: {  	s1 =	ssub.s32 @!p0 $0x0, s1;
	[sflag:s0] =	ssyncset.done @!p0 $0x0  }
0x18a: {  	[sflag:s0] =	ssyncadd.s32 @!p0 s1  }
0x18b: {  	[bflag:$0x3] =	sbarrier.arrive $0xFFFF  }
0x18c: {  	_ =	shalt  }

</sc_bundles>
